<compile_context>
chip_gen: v7x
topology: tpu7x:2x2x1
jax: 0.10.2.dev20260603
libtpu: 0.0.44.dev20260713+nightly
codegen_flags: <defaults>
</compile_context>

<pallas_src>
import functools

import jax
import jax.numpy as jnp
from jax import lax
from jax.experimental import pallas as pl
from jax.experimental.pallas import tpu as pltpu
from jax.experimental.pallas import tpu_sc as plsc

_ROWS, _COLS = 128, 32768
_N = _ROWS * _COLS
_K = _N // 2
_NBUCKETS = 4096
_SHIFT = 19
_HR = 64
_HC = 64

_NC, _NS = 2, 16
_NW = _NC * _NS
_SROWS_PER_W = 1
_SCHUNK = 2048
_M = _NW * _SROWS_PER_W * _SCHUNK
_KS = _M // 2

_LP = (0.9997923620654826, -0.4969774307194315, 0.3145891739906498,
       -0.18878082355188172, 0.08172564529363718, -0.017207799231322405)
_LP0 = 3.5110213567612902e-06


def _bce16(x, t):
    ax = jnp.abs(x)
    u = jnp.exp(-ax)
    p = jnp.full((16,), _LP[5], jnp.float32)
    for c in (_LP[4], _LP[3], _LP[2], _LP[1], _LP[0]):
        p = p * u + c
    p = p * u + _LP0
    loss = jnp.maximum(x, 0.0) - x * t + p
    return jnp.maximum(loss, 0.0)


_UNROLL = 8
_NHIST = 2


def _sc_hist_body(in_hbm, tg_hbm, out_hbm, xbuf, tbuf, hist_a, hist_b):
    wid = lax.axis_index("s") * _NC + lax.axis_index("c")
    hists = (hist_a, hist_b)

    zeros16 = jnp.zeros((16,), jnp.float32)
    def zbody(i, carry):
        for r2 in range(4):
            for j in range(_HC // 16):
                hist_a[i * 4 + r2, pl.ds(j * 16, 16)] = zeros16
                hist_b[i * 4 + r2, pl.ds(j * 16, 16)] = zeros16
        return carry
    lax.fori_loop(0, _HR // 4, zbody, 0)

    ones16 = jnp.ones((16,), jnp.float32)

    pltpu.sync_copy(in_hbm.at[wid, pl.ds(0, _SCHUNK)], xbuf)
    pltpu.sync_copy(tg_hbm.at[wid, pl.ds(0, _SCHUNK)], tbuf)

    def vbody(i, c2):
        base = i * 16 * _UNROLL
        for j2 in range(_UNROLL):
            x = xbuf[pl.ds(base + j2 * 16, 16)]
            t = tbuf[pl.ds(base + j2 * 16, 16)]
            loss = _bce16(x, t)
            bits = lax.bitcast_convert_type(loss, jnp.int32)
            bucket = lax.shift_right_logical(bits, _SHIFT)
            br = lax.shift_right_logical(bucket, 6)
            bc = lax.bitwise_and(bucket, 63)
            plsc.addupdate_scatter(hists[j2 % _NHIST], [br, bc], ones16)
        return c2
    lax.fori_loop(0, _SCHUNK // (16 * _UNROLL), vbody, 0)

    def mbody(i, carry):
        for r2 in range(4):
            for j in range(_HC // 16):
                sl = pl.ds(j * 16, 16)
                r3 = i * 4 + r2
                hist_a[r3, sl] = hist_a[r3, sl] + hist_b[r3, sl]
        return carry
    lax.fori_loop(0, _HR // 4, mbody, 0)

    pltpu.sync_copy(hist_a, out_hbm.at[wid])


@functools.cache
def _get_sc_hist():
    return pl.kernel(
        _sc_hist_body,
        out_type=jax.ShapeDtypeStruct((_NW, _HR, _HC), jnp.float32),
        mesh=plsc.VectorSubcoreMesh(core_axis_name="c", subcore_axis_name="s",
                                    num_cores=_NC, num_subcores=_NS),
        compiler_params=pltpu.CompilerParams(needs_layout_passes=False),
        scratch_types=[
            pltpu.VMEM((_SCHUNK,), jnp.float32),
            pltpu.VMEM((_SCHUNK,), jnp.float32),
            pltpu.VMEM((_HR, _HC), jnp.float32),
            pltpu.VMEM((_HR, _HC), jnp.float32),
        ],
    )


_GRID = 8
_BLKR = _ROWS // _GRID


def _tc_body(hist_ref, in_ref, tg_ref, out_ref, acc):
    i = pl.program_id(0)

    @pl.when(i == 0)
    def _init():
        h = hist_ref[...]
        c2 = jnp.sum(h, axis=0)
        r_i = lax.broadcasted_iota(jnp.int32, (_HR, _HC), 0)
        c_i = lax.broadcasted_iota(jnp.int32, (_HR, _HC), 1)
        upper = (r_i < c_i).astype(jnp.float32)
        lower = (r_i > c_i).astype(jnp.float32)
        cr = lax.dot_general(c2, upper, (((1,), (0,)), ((), ())),
                             precision=lax.Precision.HIGHEST)
        rs = jnp.sum(c2, axis=1, keepdims=True)
        off = lax.dot_general(lower, rs, (((1,), (0,)), ((), ())),
                              precision=lax.Precision.HIGHEST)
        below = cr + off
        total = jnp.sum(c2)
        n_geq = total - below
        vals = lax.bitcast_convert_type((r_i * _HC + c_i) << _SHIFT,
                                        jnp.float32)
        tval = jnp.max(jnp.where(n_geq >= float(_KS), vals, -1.0))
        acc[0] = tval
        acc[1] = 0.0
        acc[2] = 0.0

    tval = acc[0]
    x = in_ref[...]
    tg = tg_ref[...]
    ax = jnp.abs(x)
    loss = jnp.maximum(x, 0.0) - x * tg + jnp.log1p(jnp.exp(-ax))
    acc[2] += jnp.sum(jnp.maximum(loss - tval, 0.0))

    @pl.when(i == _GRID - 1)
    def _fin():
        out_ref[0, 0] = acc[0] + acc[2] / float(_K)


_tc_finalize = pl.pallas_call(
    _tc_body,
    grid=(_GRID,),
    in_specs=[
        pl.BlockSpec((_NW, _HR, _HC), lambda i: (0, 0, 0)),
        pl.BlockSpec((_BLKR, _COLS), lambda i: (i, 0)),
        pl.BlockSpec((_BLKR, _COLS), lambda i: (i, 0)),
    ],
    out_specs=pl.BlockSpec(memory_space=pltpu.SMEM),
    out_shape=jax.ShapeDtypeStruct((1, 1), jnp.float32),
    scratch_shapes=[pltpu.SMEM((4,), jnp.float32)],
)


def kernel(input, target):
    hist3 = _get_sc_hist()(input, target)
    out = _tc_finalize(hist3, input, target)
    return out[0, 0]

# --- scband reference (transcript-rebuilt; emitter-appended) ---
"""Pipeline reference for scband-ohembcewith-logits-loss-7421703487825 (READ-ONLY COPY).

The authoritative reference and input builder live on the scoring server;
editing this copy changes nothing except your own understanding.
"""

import jax, jax.numpy as jnp
import numpy as np

OHEM_RATIO = 0.5

def setup_inputs(seed: int = 0) -> dict:
    key = jax.random.key(seed)
    k1, k2 = jax.random.split(key)
    input = jax.random.normal(k1, (128, 32768), dtype=jnp.float32)
    target = jax.random.uniform(k2, (128, 32768), dtype=jnp.float32)
    return {"input": input, "target": target}

def _bce_with_logits(x, t):
    # numerically stable BCE with logits, reduction='none'
    return jnp.maximum(x, 0.0) - x * t + jnp.log1p(jnp.exp(-jnp.abs(x)))

def reference(input, target):
    loss = _bce_with_logits(input, target)
    loss_flat = loss.reshape(-1)
    n = loss_flat.shape[0]
    num_hard = max(1, int(n * OHEM_RATIO))
    hard_loss, _ = jax.lax.top_k(loss_flat, num_hard)
    return jnp.mean(hard_loss)

if __name__ == "__main__":
    import jax
    _d = setup_inputs()
    print(jax.jit(kernel)(*tuple(_d.values())))

</pallas_src>

<mosaic_0001>
#map = affine_map<(d0, d1) -> (0, 0)>
#map1 = affine_map<(d0, d1) -> (0, 0, 0)>
module attributes {stable_mosaic.version = 14 : i64} {
  func.func @_sc_hist_body(%arg0: i32, %arg1: i32, %arg2: memref<128x32768xf32, #tpu.memory_space<hbm>>, %arg3: memref<128x32768xf32, #tpu.memory_space<hbm>>, %arg4: memref<32x64x64xf32, #tpu.memory_space<hbm>>, %arg5: memref<2048xf32, #tpu.memory_space<vmem>>, %arg6: memref<2048xf32, #tpu.memory_space<vmem>>, %arg7: memref<64x64xf32, #tpu.memory_space<vmem>>, %arg8: memref<64x64xf32, #tpu.memory_space<vmem>>) attributes {dimension_semantics = [#tpu.dimension_semantics<core_parallel>, #tpu.dimension_semantics<subcore_parallel>], iteration_bounds = array<i64: 2, 16>, scalar_prefetch = 0 : i64, scratch_operands = 4 : i64, tpu.core_type = #tpu.core_type<sc_vector_subcore>, window_params = [{transform_indices = #map}, {transform_indices = #map}, {transform_indices = #map1}]} {
    %mul3A = arith.constant 2 : i32
    %mul3A_0 = arith.muli %arg1, %mul3A : i32
    %add3A = arith.addi %mul3A_0, %arg0 : i32
    %broadcast_in_dim3A = arith.constant 0.000000e+00 : f32
    %broadcast_in_dim3A_1 = vector.broadcast %broadcast_in_dim3A : f32 to vector<16xf32>
    %scan3A = arith.constant 0 : i32
    %scan3A_2 = arith.constant 0 : i32
    %scan3A_3 = arith.constant 16 : i32
    %scan3A_4 = arith.addi %scan3A_2, %scan3A_3 : i32
    %scan3A_5 = arith.constant 1 : i32
    scf.for %scan3A_21 = %scan3A_2 to %scan3A_4 step %scan3A_5  : i32 {
      %mul3A_22 = arith.constant 4 : i32
      %mul3A_23 = arith.muli %scan3A_21, %mul3A_22 : i32
      %add3A_24 = arith.constant 0 : i32
      %add3A_25 = arith.addi %mul3A_23, %add3A_24 : i32
      %swap3A = arith.index_cast %add3A_25 : i32 to index
      %swap3A_26 = arith.constant 0 : index
      %swap3A_27 = tpu.vector_load %arg7[%swap3A, %swap3A_26] {strides = array<i32>} : memref<64x64xf32, #tpu.memory_space<vmem>>, vector<16xf32>,
      tpu.vector_store %arg7[%swap3A, %swap3A_26], %broadcast_in_dim3A_1 {strides = array<i32>} : memref<64x64xf32, #tpu.memory_space<vmem>>, vector<16xf32>,
      %mul3A_28 = arith.constant 4 : i32
      %mul3A_29 = arith.muli %scan3A_21, %mul3A_28 : i32
      %add3A_30 = arith.constant 0 : i32
      %add3A_31 = arith.addi %mul3A_29, %add3A_30 : i32
      %swap3A_32 = arith.index_cast %add3A_31 : i32 to index
      %swap3A_33 = arith.constant 0 : index
      %swap3A_34 = tpu.vector_load %arg8[%swap3A_32, %swap3A_33] {strides = array<i32>} : memref<64x64xf32, #tpu.memory_space<vmem>>, vector<16xf32>,
      tpu.vector_store %arg8[%swap3A_32, %swap3A_33], %broadcast_in_dim3A_1 {strides = array<i32>} : memref<64x64xf32, #tpu.memory_space<vmem>>, vector<16xf32>,
      %mul3A_35 = arith.constant 4 : i32
      %mul3A_36 = arith.muli %scan3A_21, %mul3A_35 : i32
      %add3A_37 = arith.constant 0 : i32
      %add3A_38 = arith.addi %mul3A_36, %add3A_37 : i32
      %swap3A_39 = arith.index_cast %add3A_38 : i32 to index
      %swap3A_40 = arith.constant 16 : index
      %swap3A_41 = tpu.vector_load %arg7[%swap3A_39, %swap3A_40] {strides = array<i32>} : memref<64x64xf32, #tpu.memory_space<vmem>>, vector<16xf32>,
      tpu.vector_store %arg7[%swap3A_39, %swap3A_40], %broadcast_in_dim3A_1 {strides = array<i32>} : memref<64x64xf32, #tpu.memory_space<vmem>>, vector<16xf32>,
      %mul3A_42 = arith.constant 4 : i32
      %mul3A_43 = arith.muli %scan3A_21, %mul3A_42 : i32
      %add3A_44 = arith.constant 0 : i32
      %add3A_45 = arith.addi %mul3A_43, %add3A_44 : i32
      %swap3A_46 = arith.index_cast %add3A_45 : i32 to index
      %swap3A_47 = arith.constant 16 : index
      %swap3A_48 = tpu.vector_load %arg8[%swap3A_46, %swap3A_47] {strides = array<i32>} : memref<64x64xf32, #tpu.memory_space<vmem>>, vector<16xf32>,
      tpu.vector_store %arg8[%swap3A_46, %swap3A_47], %broadcast_in_dim3A_1 {strides = array<i32>} : memref<64x64xf32, #tpu.memory_space<vmem>>, vector<16xf32>,
      %mul3A_49 = arith.constant 4 : i32
      %mul3A_50 = arith.muli %scan3A_21, %mul3A_49 : i32
      %add3A_51 = arith.constant 0 : i32
      %add3A_52 = arith.addi %mul3A_50, %add3A_51 : i32
      %swap3A_53 = arith.index_cast %add3A_52 : i32 to index
      %swap3A_54 = arith.constant 32 : index
      %swap3A_55 = tpu.vector_load %arg7[%swap3A_53, %swap3A_54] {strides = array<i32>} : memref<64x64xf32, #tpu.memory_space<vmem>>, vector<16xf32>,
      tpu.vector_store %arg7[%swap3A_53, %swap3A_54], %broadcast_in_dim3A_1 {strides = array<i32>} : memref<64x64xf32, #tpu.memory_space<vmem>>, vector<16xf32>,
      %mul3A_56 = arith.constant 4 : i32
      %mul3A_57 = arith.muli %scan3A_21, %mul3A_56 : i32
      %add3A_58 = arith.constant 0 : i32
      %add3A_59 = arith.addi %mul3A_57, %add3A_58 : i32
      %swap3A_60 = arith.index_cast %add3A_59 : i32 to index
      %swap3A_61 = arith.constant 32 : index
      %swap3A_62 = tpu.vector_load %arg8[%swap3A_60, %swap3A_61] {strides = array<i32>} : memref<64x64xf32, #tpu.memory_space<vmem>>, vector<16xf32>,
      tpu.vector_store %arg8[%swap3A_60, %swap3A_61], %broadcast_in_dim3A_1 {strides = array<i32>} : memref<64x64xf32, #tpu.memory_space<vmem>>, vector<16xf32>,
      %mul3A_63 = arith.constant 4 : i32
      %mul3A_64 = arith.muli %scan3A_21, %mul3A_63 : i32
      %add3A_65 = arith.constant 0 : i32
      %add3A_66 = arith.addi %mul3A_64, %add3A_65 : i32
      %swap3A_67 = arith.index_cast %add3A_66 : i32 to index
      %swap3A_68 = arith.constant 48 : index
      %swap3A_69 = tpu.vector_load %arg7[%swap3A_67, %swap3A_68] {strides = array<i32>} : memref<64x64xf32, #tpu.memory_space<vmem>>, vector<16xf32>,
      tpu.vector_store %arg7[%swap3A_67, %swap3A_68], %broadcast_in_dim3A_1 {strides = array<i32>} : memref<64x64xf32, #tpu.memory_space<vmem>>, vector<16xf32>,
      %mul3A_70 = arith.constant 4 : i32
      %mul3A_71 = arith.muli %scan3A_21, %mul3A_70 : i32
      %add3A_72 = arith.constant 0 : i32
      %add3A_73 = arith.addi %mul3A_71, %add3A_72 : i32
      %swap3A_74 = arith.index_cast %add3A_73 : i32 to index
      %swap3A_75 = arith.constant 48 : index
      %swap3A_76 = tpu.vector_load %arg8[%swap3A_74, %swap3A_75] {strides = array<i32>} : memref<64x64xf32, #tpu.memory_space<vmem>>, vector<16xf32>,
      tpu.vector_store %arg8[%swap3A_74, %swap3A_75], %broadcast_in_dim3A_1 {strides = array<i32>} : memref<64x64xf32, #tpu.memory_space<vmem>>, vector<16xf32>,
      %mul3A_77 = arith.constant 4 : i32
      %mul3A_78 = arith.muli %scan3A_21, %mul3A_77 : i32
      %add3A_79 = arith.constant 1 : i32
      %add3A_80 = arith.addi %mul3A_78, %add3A_79 : i32
      %swap3A_81 = arith.index_cast %add3A_80 : i32 to index
      %swap3A_82 = arith.constant 0 : index
      %swap3A_83 = tpu.vector_load %arg7[%swap3A_81, %swap3A_82] {strides = array<i32>} : memref<64x64xf32, #tpu.memory_space<vmem>>, vector<16xf32>,
      tpu.vector_store %arg7[%swap3A_81, %swap3A_82], %broadcast_in_dim3A_1 {strides = array<i32>} : memref<64x64xf32, #tpu.memory_space<vmem>>, vector<16xf32>,
      %mul3A_84 = arith.constant 4 : i32
      %mul3A_85 = arith.muli %scan3A_21, %mul3A_84 : i32
      %add3A_86 = arith.constant 1 : i32
      %add3A_87 = arith.addi %mul3A_85, %add3A_86 : i32
      %swap3A_88 = arith.index_cast %add3A_87 : i32 to index
      %swap3A_89 = arith.constant 0 : index
      %swap3A_90 = tpu.vector_load %arg8[%swap3A_88, %swap3A_89] {strides = array<i32>} : memref<64x64xf32, #tpu.memory_space<vmem>>, vector<16xf32>,
      tpu.vector_store %arg8[%swap3A_88, %swap3A_89], %broadcast_in_dim3A_1 {strides = array<i32>} : memref<64x64xf32, #tpu.memory_space<vmem>>, vector<16xf32>,
      %mul3A_91 = arith.constant 4 : i32
      %mul3A_92 = arith.muli %scan3A_21, %mul3A_91 : i32
      %add3A_93 = arith.constant 1 : i32
      %add3A_94 = arith.addi %mul3A_92, %add3A_93 : i32
      %swap3A_95 = arith.index_cast %add3A_94 : i32 to index
      %swap3A_96 = arith.constant 16 : index
      %swap3A_97 = tpu.vector_load %arg7[%swap3A_95, %swap3A_96] {strides = array<i32>} : memref<64x64xf32, #tpu.memory_space<vmem>>, vector<16xf32>,
      tpu.vector_store %arg7[%swap3A_95, %swap3A_96], %broadcast_in_dim3A_1 {strides = array<i32>} : memref<64x64xf32, #tpu.memory_space<vmem>>, vector<16xf32>,
      %mul3A_98 = arith.constant 4 : i32
      %mul3A_99 = arith.muli %scan3A_21, %mul3A_98 : i32
      %add3A_100 = arith.constant 1 : i32
      %add3A_101 = arith.addi %mul3A_99, %add3A_100 : i32
      %swap3A_102 = arith.index_cast %add3A_101 : i32 to index
      %swap3A_103 = arith.constant 16 : index
      %swap3A_104 = tpu.vector_load %arg8[%swap3A_102, %swap3A_103] {strides = array<i32>} : memref<64x64xf32, #tpu.memory_space<vmem>>, vector<16xf32>,
      tpu.vector_store %arg8[%swap3A_102, %swap3A_103], %broadcast_in_dim3A_1 {strides = array<i32>} : memref<64x64xf32, #tpu.memory_space<vmem>>, vector<16xf32>,
      %mul3A_105 = arith.constant 4 : i32
      %mul3A_106 = arith.muli %scan3A_21, %mul3A_105 : i32
      %add3A_107 = arith.constant 1 : i32
      %add3A_108 = arith.addi %mul3A_106, %add3A_107 : i32
      %swap3A_109 = arith.index_cast %add3A_108 : i32 to index
      %swap3A_110 = arith.constant 32 : index
      %swap3A_111 = tpu.vector_load %arg7[%swap3A_109, %swap3A_110] {strides = array<i32>} : memref<64x64xf32, #tpu.memory_space<vmem>>, vector<16xf32>,
      tpu.vector_store %arg7[%swap3A_109, %swap3A_110], %broadcast_in_dim3A_1 {strides = array<i32>} : memref<64x64xf32, #tpu.memory_space<vmem>>, vector<16xf32>,
      %mul3A_112 = arith.constant 4 : i32
      %mul3A_113 = arith.muli %scan3A_21, %mul3A_112 : i32
      %add3A_114 = arith.constant 1 : i32
      %add3A_115 = arith.addi %mul3A_113, %add3A_114 : i32
      %swap3A_116 = arith.index_cast %add3A_115 : i32 to index
      %swap3A_117 = arith.constant 32 : index
      %swap3A_118 = tpu.vector_load %arg8[%swap3A_116, %swap3A_117] {strides = array<i32>} : memref<64x64xf32, #tpu.memory_space<vmem>>, vector<16xf32>,
      tpu.vector_store %arg8[%swap3A_116, %swap3A_117], %broadcast_in_dim3A_1 {strides = array<i32>} : memref<64x64xf32, #tpu.memory_space<vmem>>, vector<16xf32>,
      %mul3A_119 = arith.constant 4 : i32
      %mul3A_120 = arith.muli %scan3A_21, %mul3A_119 : i32
      %add3A_121 = arith.constant 1 : i32
      %add3A_122 = arith.addi %mul3A_120, %add3A_121 : i32
      %swap3A_123 = arith.index_cast %add3A_122 : i32 to index
      %swap3A_124 = arith.constant 48 : index
      %swap3A_125 = tpu.vector_load %arg7[%swap3A_123, %swap3A_124] {strides = array<i32>} : memref<64x64xf32, #tpu.memory_space<vmem>>, vector<16xf32>,
      tpu.vector_store %arg7[%swap3A_123, %swap3A_124], %broadcast_in_dim3A_1 {strides = array<i32>} : memref<64x64xf32, #tpu.memory_space<vmem>>, vector<16xf32>,
      %mul3A_126 = arith.constant 4 : i32
      %mul3A_127 = arith.muli %scan3A_21, %mul3A_126 : i32
      %add3A_128 = arith.constant 1 : i32
      %add3A_129 = arith.addi %mul3A_127, %add3A_128 : i32
      %swap3A_130 = arith.index_cast %add3A_129 : i32 to index
      %swap3A_131 = arith.constant 48 : index
      %swap3A_132 = tpu.vector_load %arg8[%swap3A_130, %swap3A_131] {strides = array<i32>} : memref<64x64xf32, #tpu.memory_space<vmem>>, vector<16xf32>,
      tpu.vector_store %arg8[%swap3A_130, %swap3A_131], %broadcast_in_dim3A_1 {strides = array<i32>} : memref<64x64xf32, #tpu.memory_space<vmem>>, vector<16xf32>,
      %mul3A_133 = arith.constant 4 : i32
      %mul3A_134 = arith.muli %scan3A_21, %mul3A_133 : i32
      %add3A_135 = arith.constant 2 : i32
      %add3A_136 = arith.addi %mul3A_134, %add3A_135 : i32
      %swap3A_137 = arith.index_cast %add3A_136 : i32 to index
      %swap3A_138 = arith.constant 0 : index
      %swap3A_139 = tpu.vector_load %arg7[%swap3A_137, %swap3A_138] {strides = array<i32>} : memref<64x64xf32, #tpu.memory_space<vmem>>, vector<16xf32>,
      tpu.vector_store %arg7[%swap3A_137, %swap3A_138], %broadcast_in_dim3A_1 {strides = array<i32>} : memref<64x64xf32, #tpu.memory_space<vmem>>, vector<16xf32>,
      %mul3A_140 = arith.constant 4 : i32
      %mul3A_141 = arith.muli %scan3A_21, %mul3A_140 : i32
      %add3A_142 = arith.constant 2 : i32
      %add3A_143 = arith.addi %mul3A_141, %add3A_142 : i32
      %swap3A_144 = arith.index_cast %add3A_143 : i32 to index
      %swap3A_145 = arith.constant 0 : index
      %swap3A_146 = tpu.vector_load %arg8[%swap3A_144, %swap3A_145] {strides = array<i32>} : memref<64x64xf32, #tpu.memory_space<vmem>>, vector<16xf32>,
      tpu.vector_store %arg8[%swap3A_144, %swap3A_145], %broadcast_in_dim3A_1 {strides = array<i32>} : memref<64x64xf32, #tpu.memory_space<vmem>>, vector<16xf32>,
      %mul3A_147 = arith.constant 4 : i32
      %mul3A_148 = arith.muli %scan3A_21, %mul3A_147 : i32
      %add3A_149 = arith.constant 2 : i32
      %add3A_150 = arith.addi %mul3A_148, %add3A_149 : i32
      %swap3A_151 = arith.index_cast %add3A_150 : i32 to index
      %swap3A_152 = arith.constant 16 : index
      %swap3A_153 = tpu.vector_load %arg7[%swap3A_151, %swap3A_152] {strides = array<i32>} : memref<64x64xf32, #tpu.memory_space<vmem>>, vector<16xf32>,
      tpu.vector_store %arg7[%swap3A_151, %swap3A_152], %broadcast_in_dim3A_1 {strides = array<i32>} : memref<64x64xf32, #tpu.memory_space<vmem>>, vector<16xf32>,
      %mul3A_154 = arith.constant 4 : i32
      %mul3A_155 = arith.muli %scan3A_21, %mul3A_154 : i32
      %add3A_156 = arith.constant 2 : i32
      %add3A_157 = arith.addi %mul3A_155, %add3A_156 : i32
      %swap3A_158 = arith.index_cast %add3A_157 : i32 to index
      %swap3A_159 = arith.constant 16 : index
      %swap3A_160 = tpu.vector_load %arg8[%swap3A_158, %swap3A_159] {strides = array<i32>} : memref<64x64xf32, #tpu.memory_space<vmem>>, vector<16xf32>,
      tpu.vector_store %arg8[%swap3A_158, %swap3A_159], %broadcast_in_dim3A_1 {strides = array<i32>} : memref<64x64xf32, #tpu.memory_space<vmem>>, vector<16xf32>,
      %mul3A_161 = arith.constant 4 : i32
      %mul3A_162 = arith.muli %scan3A_21, %mul3A_161 : i32
      %add3A_163 = arith.constant 2 : i32
      %add3A_164 = arith.addi %mul3A_162, %add3A_163 : i32
      %swap3A_165 = arith.index_cast %add3A_164 : i32 to index
      %swap3A_166 = arith.constant 32 : index
      %swap3A_167 = tpu.vector_load %arg7[%swap3A_165, %swap3A_166] {strides = array<i32>} : memref<64x64xf32, #tpu.memory_space<vmem>>, vector<16xf32>,
      tpu.vector_store %arg7[%swap3A_165, %swap3A_166], %broadcast_in_dim3A_1 {strides = array<i32>} : memref<64x64xf32, #tpu.memory_space<vmem>>, vector<16xf32>,
      %mul3A_168 = arith.constant 4 : i32
      %mul3A_169 = arith.muli %scan3A_21, %mul3A_168 : i32
      %add3A_170 = arith.constant 2 : i32
      %add3A_171 = arith.addi %mul3A_169, %add3A_170 : i32
      %swap3A_172 = arith.index_cast %add3A_171 : i32 to index
      %swap3A_173 = arith.constant 32 : index
      %swap3A_174 = tpu.vector_load %arg8[%swap3A_172, %swap3A_173] {strides = array<i32>} : memref<64x64xf32, #tpu.memory_space<vmem>>, vector<16xf32>,
      tpu.vector_store %arg8[%swap3A_172, %swap3A_173], %broadcast_in_dim3A_1 {strides = array<i32>} : memref<64x64xf32, #tpu.memory_space<vmem>>, vector<16xf32>,
      %mul3A_175 = arith.constant 4 : i32
      %mul3A_176 = arith.muli %scan3A_21, %mul3A_175 : i32
      %add3A_177 = arith.constant 2 : i32
      %add3A_178 = arith.addi %mul3A_176, %add3A_177 : i32
      %swap3A_179 = arith.index_cast %add3A_178 : i32 to index
      %swap3A_180 = arith.constant 48 : index
      %swap3A_181 = tpu.vector_load %arg7[%swap3A_179, %swap3A_180] {strides = array<i32>} : memref<64x64xf32, #tpu.memory_space<vmem>>, vector<16xf32>,
      tpu.vector_store %arg7[%swap3A_179, %swap3A_180], %broadcast_in_dim3A_1 {strides = array<i32>} : memref<64x64xf32, #tpu.memory_space<vmem>>, vector<16xf32>,
      %mul3A_182 = arith.constant 4 : i32
      %mul3A_183 = arith.muli %scan3A_21, %mul3A_182 : i32
      %add3A_184 = arith.constant 2 : i32
      %add3A_185 = arith.addi %mul3A_183, %add3A_184 : i32
      %swap3A_186 = arith.index_cast %add3A_185 : i32 to index
      %swap3A_187 = arith.constant 48 : index
      %swap3A_188 = tpu.vector_load %arg8[%swap3A_186, %swap3A_187] {strides = array<i32>} : memref<64x64xf32, #tpu.memory_space<vmem>>, vector<16xf32>,
      tpu.vector_store %arg8[%swap3A_186, %swap3A_187], %broadcast_in_dim3A_1 {strides = array<i32>} : memref<64x64xf32, #tpu.memory_space<vmem>>, vector<16xf32>,
      %mul3A_189 = arith.constant 4 : i32
      %mul3A_190 = arith.muli %scan3A_21, %mul3A_189 : i32
      %add3A_191 = arith.constant 3 : i32
      %add3A_192 = arith.addi %mul3A_190, %add3A_191 : i32
      %swap3A_193 = arith.index_cast %add3A_192 : i32 to index
      %swap3A_194 = arith.constant 0 : index
      %swap3A_195 = tpu.vector_load %arg7[%swap3A_193, %swap3A_194] {strides = array<i32>} : memref<64x64xf32, #tpu.memory_space<vmem>>, vector<16xf32>,
      tpu.vector_store %arg7[%swap3A_193, %swap3A_194], %broadcast_in_dim3A_1 {strides = array<i32>} : memref<64x64xf32, #tpu.memory_space<vmem>>, vector<16xf32>,
      %mul3A_196 = arith.constant 4 : i32
      %mul3A_197 = arith.muli %scan3A_21, %mul3A_196 : i32
      %add3A_198 = arith.constant 3 : i32
      %add3A_199 = arith.addi %mul3A_197, %add3A_198 : i32
      %swap3A_200 = arith.index_cast %add3A_199 : i32 to index
      %swap3A_201 = arith.constant 0 : index
      %swap3A_202 = tpu.vector_load %arg8[%swap3A_200, %swap3A_201] {strides = array<i32>} : memref<64x64xf32, #tpu.memory_space<vmem>>, vector<16xf32>,
      tpu.vector_store %arg8[%swap3A_200, %swap3A_201], %broadcast_in_dim3A_1 {strides = array<i32>} : memref<64x64xf32, #tpu.memory_space<vmem>>, vector<16xf32>,
      %mul3A_203 = arith.constant 4 : i32
      %mul3A_204 = arith.muli %scan3A_21, %mul3A_203 : i32
      %add3A_205 = arith.constant 3 : i32
      %add3A_206 = arith.addi %mul3A_204, %add3A_205 : i32
      %swap3A_207 = arith.index_cast %add3A_206 : i32 to index
      %swap3A_208 = arith.constant 16 : index
      %swap3A_209 = tpu.vector_load %arg7[%swap3A_207, %swap3A_208] {strides = array<i32>} : memref<64x64xf32, #tpu.memory_space<vmem>>, vector<16xf32>,
      tpu.vector_store %arg7[%swap3A_207, %swap3A_208], %broadcast_in_dim3A_1 {strides = array<i32>} : memref<64x64xf32, #tpu.memory_space<vmem>>, vector<16xf32>,
      %mul3A_210 = arith.constant 4 : i32
      %mul3A_211 = arith.muli %scan3A_21, %mul3A_210 : i32
      %add3A_212 = arith.constant 3 : i32
      %add3A_213 = arith.addi %mul3A_211, %add3A_212 : i32
      %swap3A_214 = arith.index_cast %add3A_213 : i32 to index
      %swap3A_215 = arith.constant 16 : index
      %swap3A_216 = tpu.vector_load %arg8[%swap3A_214, %swap3A_215] {strides = array<i32>} : memref<64x64xf32, #tpu.memory_space<vmem>>, vector<16xf32>,
      tpu.vector_store %arg8[%swap3A_214, %swap3A_215], %broadcast_in_dim3A_1 {strides = array<i32>} : memref<64x64xf32, #tpu.memory_space<vmem>>, vector<16xf32>,
      %mul3A_217 = arith.constant 4 : i32
      %mul3A_218 = arith.muli %scan3A_21, %mul3A_217 : i32
      %add3A_219 = arith.constant 3 : i32
      %add3A_220 = arith.addi %mul3A_218, %add3A_219 : i32
      %swap3A_221 = arith.index_cast %add3A_220 : i32 to index
      %swap3A_222 = arith.constant 32 : index
      %swap3A_223 = tpu.vector_load %arg7[%swap3A_221, %swap3A_222] {strides = array<i32>} : memref<64x64xf32, #tpu.memory_space<vmem>>, vector<16xf32>,
      tpu.vector_store %arg7[%swap3A_221, %swap3A_222], %broadcast_in_dim3A_1 {strides = array<i32>} : memref<64x64xf32, #tpu.memory_space<vmem>>, vector<16xf32>,
      %mul3A_224 = arith.constant 4 : i32
      %mul3A_225 = arith.muli %scan3A_21, %mul3A_224 : i32
      %add3A_226 = arith.constant 3 : i32
      %add3A_227 = arith.addi %mul3A_225, %add3A_226 : i32
      %swap3A_228 = arith.index_cast %add3A_227 : i32 to index
      %swap3A_229 = arith.constant 32 : index
      %swap3A_230 = tpu.vector_load %arg8[%swap3A_228, %swap3A_229] {strides = array<i32>} : memref<64x64xf32, #tpu.memory_space<vmem>>, vector<16xf32>,
      tpu.vector_store %arg8[%swap3A_228, %swap3A_229], %broadcast_in_dim3A_1 {strides = array<i32>} : memref<64x64xf32, #tpu.memory_space<vmem>>, vector<16xf32>,
      %mul3A_231 = arith.constant 4 : i32
      %mul3A_232 = arith.muli %scan3A_21, %mul3A_231 : i32
      %add3A_233 = arith.constant 3 : i32
      %add3A_234 = arith.addi %mul3A_232, %add3A_233 : i32
      %swap3A_235 = arith.index_cast %add3A_234 : i32 to index
      %swap3A_236 = arith.constant 48 : index
      %swap3A_237 = tpu.vector_load %arg7[%swap3A_235, %swap3A_236] {strides = array<i32>} : memref<64x64xf32, #tpu.memory_space<vmem>>, vector<16xf32>,
      tpu.vector_store %arg7[%swap3A_235, %swap3A_236], %broadcast_in_dim3A_1 {strides = array<i32>} : memref<64x64xf32, #tpu.memory_space<vmem>>, vector<16xf32>,
      %mul3A_238 = arith.constant 4 : i32
      %mul3A_239 = arith.muli %scan3A_21, %mul3A_238 : i32
      %add3A_240 = arith.constant 3 : i32
      %add3A_241 = arith.addi %mul3A_239, %add3A_240 : i32
      %swap3A_242 = arith.index_cast %add3A_241 : i32 to index
      %swap3A_243 = arith.constant 48 : index
      %swap3A_244 = tpu.vector_load %arg8[%swap3A_242, %swap3A_243] {strides = array<i32>} : memref<64x64xf32, #tpu.memory_space<vmem>>, vector<16xf32>,
      tpu.vector_store %arg8[%swap3A_242, %swap3A_243], %broadcast_in_dim3A_1 {strides = array<i32>} : memref<64x64xf32, #tpu.memory_space<vmem>>, vector<16xf32>,
    }
    %scan3A_6 = arith.constant 16 : i32
    %broadcast_in_dim3A_7 = arith.constant 1.000000e+00 : f32
    %broadcast_in_dim3A_8 = vector.broadcast %broadcast_in_dim3A_7 : f32 to vector<16xf32>
    "tpu.region"() ({
      %run_scoped3A = tpu.sem_alloc : memref<!tpu.dma_semaphore, #tpu.memory_space<semaphore_mem>>
      %dma_start3A = arith.constant 0 : i32
      %dma_start3A_21 = tpu.memref_slice %arg2[%add3A, %dma_start3A] : memref<128x32768xf32, #tpu.memory_space<hbm>> -> memref<1x2048xf32, #tpu.memory_space<hbm>>
      %dma_start3A_22 = tpu.memref_squeeze %dma_start3A_21 : memref<1x2048xf32, #tpu.memory_space<hbm>> -> memref<2048xf32, #tpu.memory_space<hbm>>
      %dma_start3A_23 = arith.constant 0 : i32
      %dma_start3A_24 = tpu.memref_slice %arg2[%add3A, %dma_start3A_23] : memref<128x32768xf32, #tpu.memory_space<hbm>> -> memref<1x2048xf32, #tpu.memory_space<hbm>>
      %dma_start3A_25 = tpu.memref_squeeze %dma_start3A_24 : memref<1x2048xf32, #tpu.memory_space<hbm>> -> memref<2048xf32, #tpu.memory_space<hbm>>
      tpu.enqueue_dma source(%dma_start3A_25 : memref<2048xf32, #tpu.memory_space<hbm>>) target(%arg5 : memref<2048xf32, #tpu.memory_space<vmem>>) target_semaphore(%run_scoped3A : memref<!tpu.dma_semaphore, #tpu.memory_space<semaphore_mem>>)
      %dma_wait3A = arith.constant 0 : i32
      %dma_wait3A_26 = tpu.memref_slice %arg2[%add3A, %dma_wait3A] : memref<128x32768xf32, #tpu.memory_space<hbm>> -> memref<1x2048xf32, #tpu.memory_space<hbm>>
      %dma_wait3A_27 = tpu.memref_squeeze %dma_wait3A_26 : memref<1x2048xf32, #tpu.memory_space<hbm>> -> memref<2048xf32, #tpu.memory_space<hbm>>
      %dma_wait3A_28 = arith.constant 0 : i32
      %dma_wait3A_29 = tpu.memref_slice %arg2[%add3A, %dma_wait3A_28] : memref<128x32768xf32, #tpu.memory_space<hbm>> -> memref<1x2048xf32, #tpu.memory_space<hbm>>
      %dma_wait3A_30 = tpu.memref_squeeze %dma_wait3A_29 : memref<1x2048xf32, #tpu.memory_space<hbm>> -> memref<2048xf32, #tpu.memory_space<hbm>>
      tpu.wait_dma2 semaphore(%run_scoped3A : memref<!tpu.dma_semaphore, #tpu.memory_space<semaphore_mem>>) src(%dma_wait3A_30 : memref<2048xf32, #tpu.memory_space<hbm>>) dst(%arg5 : memref<2048xf32, #tpu.memory_space<vmem>>)
      tpu.yield
    }) : () -> ()
    "tpu.region"() ({
      %run_scoped3A = tpu.sem_alloc : memref<!tpu.dma_semaphore, #tpu.memory_space<semaphore_mem>>
      %dma_start3A = arith.constant 0 : i32
      %dma_start3A_21 = tpu.memref_slice %arg3[%add3A, %dma_start3A] : memref<128x32768xf32, #tpu.memory_space<hbm>> -> memref<1x2048xf32, #tpu.memory_space<hbm>>
      %dma_start3A_22 = tpu.memref_squeeze %dma_start3A_21 : memref<1x2048xf32, #tpu.memory_space<hbm>> -> memref<2048xf32, #tpu.memory_space<hbm>>
      %dma_start3A_23 = arith.constant 0 : i32
      %dma_start3A_24 = tpu.memref_slice %arg3[%add3A, %dma_start3A_23] : memref<128x32768xf32, #tpu.memory_space<hbm>> -> memref<1x2048xf32, #tpu.memory_space<hbm>>
      %dma_start3A_25 = tpu.memref_squeeze %dma_start3A_24 : memref<1x2048xf32, #tpu.memory_space<hbm>> -> memref<2048xf32, #tpu.memory_space<hbm>>
      tpu.enqueue_dma source(%dma_start3A_25 : memref<2048xf32, #tpu.memory_space<hbm>>) target(%arg6 : memref<2048xf32, #tpu.memory_space<vmem>>) target_semaphore(%run_scoped3A : memref<!tpu.dma_semaphore, #tpu.memory_space<semaphore_mem>>)
      %dma_wait3A = arith.constant 0 : i32
      %dma_wait3A_26 = tpu.memref_slice %arg3[%add3A, %dma_wait3A] : memref<128x32768xf32, #tpu.memory_space<hbm>> -> memref<1x2048xf32, #tpu.memory_space<hbm>>
      %dma_wait3A_27 = tpu.memref_squeeze %dma_wait3A_26 : memref<1x2048xf32, #tpu.memory_space<hbm>> -> memref<2048xf32, #tpu.memory_space<hbm>>
      %dma_wait3A_28 = arith.constant 0 : i32
      %dma_wait3A_29 = tpu.memref_slice %arg3[%add3A, %dma_wait3A_28] : memref<128x32768xf32, #tpu.memory_space<hbm>> -> memref<1x2048xf32, #tpu.memory_space<hbm>>
      %dma_wait3A_30 = tpu.memref_squeeze %dma_wait3A_29 : memref<1x2048xf32, #tpu.memory_space<hbm>> -> memref<2048xf32, #tpu.memory_space<hbm>>
      tpu.wait_dma2 semaphore(%run_scoped3A : memref<!tpu.dma_semaphore, #tpu.memory_space<semaphore_mem>>) src(%dma_wait3A_30 : memref<2048xf32, #tpu.memory_space<hbm>>) dst(%arg6 : memref<2048xf32, #tpu.memory_space<vmem>>)
      tpu.yield
    }) : () -> ()
    %scan3A_9 = arith.constant 0 : i32
    %scan3A_10 = arith.constant 0 : i32
    %scan3A_11 = arith.constant 16 : i32
    %scan3A_12 = arith.addi %scan3A_10, %scan3A_11 : i32
    %scan3A_13 = arith.constant 1 : i32
    scf.for %scan3A_21 = %scan3A_10 to %scan3A_12 step %scan3A_13  : i32 {
      %mul3A_22 = arith.constant 16 : i32
      %mul3A_23 = arith.muli %scan3A_21, %mul3A_22 : i32
      %mul3A_24 = arith.constant 8 : i32
      %mul3A_25 = arith.muli %mul3A_23, %mul3A_24 : i32
      %add3A_26 = arith.constant 0 : i32
      %add3A_27 = arith.addi %mul3A_25, %add3A_26 : i32
      %get3A = arith.index_cast %add3A_27 : i32 to index
      %get3A_28 = tpu.vector_load %arg5[%get3A] {strides = array<i32>} : memref<2048xf32, #tpu.memory_space<vmem>>, vector<16xf32>,
      %add3A_29 = arith.constant 0 : i32
      %add3A_30 = arith.addi %mul3A_25, %add3A_29 : i32
      %get3A_31 = arith.index_cast %add3A_30 : i32 to index
      %get3A_32 = tpu.vector_load %arg6[%get3A_31] {strides = array<i32>} : memref<2048xf32, #tpu.memory_space<vmem>>, vector<16xf32>,
      %abs3A = math.absf %get3A_28 : vector<16xf32>
      %neg3A = arith.constant 0.000000e+00 : f32
      %neg3A_33 = vector.broadcast %neg3A : f32 to vector<16xf32>
      %neg3A_34 = arith.subf %neg3A_33, %abs3A : vector<16xf32>
      %exp3A = math.exp %neg3A_34 : vector<16xf32>
      %broadcast_in_dim3A_35 = arith.constant -1.720780e-02 : f32
      %broadcast_in_dim3A_36 = vector.broadcast %broadcast_in_dim3A_35 : f32 to vector<16xf32>
      %mul3A_37 = arith.mulf %broadcast_in_dim3A_36, %exp3A : vector<16xf32>
      %add3A_38 = arith.constant 0.0817256421 : f32
      %add3A_39 = vector.broadcast %add3A_38 : f32 to vector<16xf32>
      %add3A_40 = arith.addf %mul3A_37, %add3A_39 : vector<16xf32>
      %mul3A_41 = arith.mulf %add3A_40, %exp3A : vector<16xf32>
      %add3A_42 = arith.constant -0.188780829 : f32
      %add3A_43 = vector.broadcast %add3A_42 : f32 to vector<16xf32>
      %add3A_44 = arith.addf %mul3A_41, %add3A_43 : vector<16xf32>
      %mul3A_45 = arith.mulf %add3A_44, %exp3A : vector<16xf32>
      %add3A_46 = arith.constant 0.314589173 : f32
      %add3A_47 = vector.broadcast %add3A_46 : f32 to vector<16xf32>
      %add3A_48 = arith.addf %mul3A_45, %add3A_47 : vector<16xf32>
      %mul3A_49 = arith.mulf %add3A_48, %exp3A : vector<16xf32>
      %add3A_50 = arith.constant -0.496977419 : f32
      %add3A_51 = vector.broadcast %add3A_50 : f32 to vector<16xf32>
      %add3A_52 = arith.addf %mul3A_49, %add3A_51 : vector<16xf32>
      %mul3A_53 = arith.mulf %add3A_52, %exp3A : vector<16xf32>
      %add3A_54 = arith.constant 0.999792337 : f32
      %add3A_55 = vector.broadcast %add3A_54 : f32 to vector<16xf32>
      %add3A_56 = arith.addf %mul3A_53, %add3A_55 : vector<16xf32>
      %mul3A_57 = arith.mulf %add3A_56, %exp3A : vector<16xf32>
      %add3A_58 = arith.constant 3.5110213E-6 : f32
      %add3A_59 = vector.broadcast %add3A_58 : f32 to vector<16xf32>
      %add3A_60 = arith.addf %mul3A_57, %add3A_59 : vector<16xf32>
      %max3A = arith.constant 0.000000e+00 : f32
      %max3A_61 = vector.broadcast %max3A : f32 to vector<16xf32>
      %max3A_62 = arith.maximumf %get3A_28, %max3A_61 : vector<16xf32>
      %mul3A_63 = arith.mulf %get3A_28, %get3A_32 : vector<16xf32>
      %sub3A = arith.subf %max3A_62, %mul3A_63 : vector<16xf32>
      %add3A_64 = arith.addf %sub3A, %add3A_60 : vector<16xf32>
      %max3A_65 = arith.constant 0.000000e+00 : f32
      %max3A_66 = vector.broadcast %max3A_65 : f32 to vector<16xf32>
      %max3A_67 = arith.maximumf %add3A_64, %max3A_66 : vector<16xf32>
      %bitcast_convert_type3A = tpu.bitcast %max3A_67 : vector<16xf32> -> vector<16xi32>
      %shift_right_logical3A = arith.constant 19 : i32
      %shift_right_logical3A_68 = vector.broadcast %shift_right_logical3A : i32 to vector<16xi32>
      %shift_right_logical3A_69 = arith.shrui %bitcast_convert_type3A, %shift_right_logical3A_68 : vector<16xi32>
      %shift_right_logical3A_70 = arith.constant 6 : i32
      %shift_right_logical3A_71 = vector.broadcast %shift_right_logical3A_70 : i32 to vector<16xi32>
      %shift_right_logical3A_72 = arith.shrui %shift_right_logical3A_69, %shift_right_logical3A_71 : vector<16xi32>
      %and3A = arith.constant 63 : i32
      %and3A_73 = vector.broadcast %and3A : i32 to vector<16xi32>
      %and3A_74 = arith.andi %shift_right_logical3A_69, %and3A_73 : vector<16xi32>
      tpu.vector_store_idx %arg7[%shift_right_logical3A_72, %and3A_74], %broadcast_in_dim3A_8 {add = true} : memref<64x64xf32, #tpu.memory_space<vmem>>[vector<16xi32>, vector<16xi32>], vector<16xf32>,
      %add3A_75 = arith.constant 16 : i32
      %add3A_76 = arith.addi %mul3A_25, %add3A_75 : i32
      %get3A_77 = arith.index_cast %add3A_76 : i32 to index
      %get3A_78 = tpu.vector_load %arg5[%get3A_77] {strides = array<i32>} : memref<2048xf32, #tpu.memory_space<vmem>>, vector<16xf32>,
      %add3A_79 = arith.constant 16 : i32
      %add3A_80 = arith.addi %mul3A_25, %add3A_79 : i32
      %get3A_81 = arith.index_cast %add3A_80 : i32 to index
      %get3A_82 = tpu.vector_load %arg6[%get3A_81] {strides = array<i32>} : memref<2048xf32, #tpu.memory_space<vmem>>, vector<16xf32>,
      %abs3A_83 = math.absf %get3A_78 : vector<16xf32>
      %neg3A_84 = arith.constant 0.000000e+00 : f32
      %neg3A_85 = vector.broadcast %neg3A_84 : f32 to vector<16xf32>
      %neg3A_86 = arith.subf %neg3A_85, %abs3A_83 : vector<16xf32>
      %exp3A_87 = math.exp %neg3A_86 : vector<16xf32>
      %broadcast_in_dim3A_88 = arith.constant -1.720780e-02 : f32
      %broadcast_in_dim3A_89 = vector.broadcast %broadcast_in_dim3A_88 : f32 to vector<16xf32>
      %mul3A_90 = arith.mulf %broadcast_in_dim3A_89, %exp3A_87 : vector<16xf32>
      %add3A_91 = arith.constant 0.0817256421 : f32
      %add3A_92 = vector.broadcast %add3A_91 : f32 to vector<16xf32>
      %add3A_93 = arith.addf %mul3A_90, %add3A_92 : vector<16xf32>
      %mul3A_94 = arith.mulf %add3A_93, %exp3A_87 : vector<16xf32>
      %add3A_95 = arith.constant -0.188780829 : f32
      %add3A_96 = vector.broadcast %add3A_95 : f32 to vector<16xf32>
      %add3A_97 = arith.addf %mul3A_94, %add3A_96 : vector<16xf32>
      %mul3A_98 = arith.mulf %add3A_97, %exp3A_87 : vector<16xf32>
      %add3A_99 = arith.constant 0.314589173 : f32
      %add3A_100 = vector.broadcast %add3A_99 : f32 to vector<16xf32>
      %add3A_101 = arith.addf %mul3A_98, %add3A_100 : vector<16xf32>
      %mul3A_102 = arith.mulf %add3A_101, %exp3A_87 : vector<16xf32>
      %add3A_103 = arith.constant -0.496977419 : f32
      %add3A_104 = vector.broadcast %add3A_103 : f32 to vector<16xf32>
      %add3A_105 = arith.addf %mul3A_102, %add3A_104 : vector<16xf32>
      %mul3A_106 = arith.mulf %add3A_105, %exp3A_87 : vector<16xf32>
      %add3A_107 = arith.constant 0.999792337 : f32
      %add3A_108 = vector.broadcast %add3A_107 : f32 to vector<16xf32>
      %add3A_109 = arith.addf %mul3A_106, %add3A_108 : vector<16xf32>
      %mul3A_110 = arith.mulf %add3A_109, %exp3A_87 : vector<16xf32>
      %add3A_111 = arith.constant 3.5110213E-6 : f32
      %add3A_112 = vector.broadcast %add3A_111 : f32 to vector<16xf32>
      %add3A_113 = arith.addf %mul3A_110, %add3A_112 : vector<16xf32>
      %max3A_114 = arith.constant 0.000000e+00 : f32
      %max3A_115 = vector.broadcast %max3A_114 : f32 to vector<16xf32>
      %max3A_116 = arith.maximumf %get3A_78, %max3A_115 : vector<16xf32>
      %mul3A_117 = arith.mulf %get3A_78, %get3A_82 : vector<16xf32>
      %sub3A_118 = arith.subf %max3A_116, %mul3A_117 : vector<16xf32>
      %add3A_119 = arith.addf %sub3A_118, %add3A_113 : vector<16xf32>
      %max3A_120 = arith.constant 0.000000e+00 : f32
      %max3A_121 = vector.broadcast %max3A_120 : f32 to vector<16xf32>
      %max3A_122 = arith.maximumf %add3A_119, %max3A_121 : vector<16xf32>
      %bitcast_convert_type3A_123 = tpu.bitcast %max3A_122 : vector<16xf32> -> vector<16xi32>
      %shift_right_logical3A_124 = arith.constant 19 : i32
      %shift_right_logical3A_125 = vector.broadcast %shift_right_logical3A_124 : i32 to vector<16xi32>
      %shift_right_logical3A_126 = arith.shrui %bitcast_convert_type3A_123, %shift_right_logical3A_125 : vector<16xi32>
      %shift_right_logical3A_127 = arith.constant 6 : i32
      %shift_right_logical3A_128 = vector.broadcast %shift_right_logical3A_127 : i32 to vector<16xi32>
      %shift_right_logical3A_129 = arith.shrui %shift_right_logical3A_126, %shift_right_logical3A_128 : vector<16xi32>
      %and3A_130 = arith.constant 63 : i32
      %and3A_131 = vector.broadcast %and3A_130 : i32 to vector<16xi32>
      %and3A_132 = arith.andi %shift_right_logical3A_126, %and3A_131 : vector<16xi32>
      tpu.vector_store_idx %arg8[%shift_right_logical3A_129, %and3A_132], %broadcast_in_dim3A_8 {add = true} : memref<64x64xf32, #tpu.memory_space<vmem>>[vector<16xi32>, vector<16xi32>], vector<16xf32>,
      %add3A_133 = arith.constant 32 : i32
      %add3A_134 = arith.addi %mul3A_25, %add3A_133 : i32
      %get3A_135 = arith.index_cast %add3A_134 : i32 to index
      %get3A_136 = tpu.vector_load %arg5[%get3A_135] {strides = array<i32>} : memref<2048xf32, #tpu.memory_space<vmem>>, vector<16xf32>,
      %add3A_137 = arith.constant 32 : i32
      %add3A_138 = arith.addi %mul3A_25, %add3A_137 : i32
      %get3A_139 = arith.index_cast %add3A_138 : i32 to index
      %get3A_140 = tpu.vector_load %arg6[%get3A_139] {strides = array<i32>} : memref<2048xf32, #tpu.memory_space<vmem>>, vector<16xf32>,
      %abs3A_141 = math.absf %get3A_136 : vector<16xf32>
      %neg3A_142 = arith.constant 0.000000e+00 : f32
      %neg3A_143 = vector.broadcast %neg3A_142 : f32 to vector<16xf32>
      %neg3A_144 = arith.subf %neg3A_143, %abs3A_141 : vector<16xf32>
      %exp3A_145 = math.exp %neg3A_144 : vector<16xf32>
      %broadcast_in_dim3A_146 = arith.constant -1.720780e-02 : f32
      %broadcast_in_dim3A_147 = vector.broadcast %broadcast_in_dim3A_146 : f32 to vector<16xf32>
      %mul3A_148 = arith.mulf %broadcast_in_dim3A_147, %exp3A_145 : vector<16xf32>
      %add3A_149 = arith.constant 0.0817256421 : f32
      %add3A_150 = vector.broadcast %add3A_149 : f32 to vector<16xf32>
      %add3A_151 = arith.addf %mul3A_148, %add3A_150 : vector<16xf32>
      %mul3A_152 = arith.mulf %add3A_151, %exp3A_145 : vector<16xf32>
      %add3A_153 = arith.constant -0.188780829 : f32
      %add3A_154 = vector.broadcast %add3A_153 : f32 to vector<16xf32>
      %add3A_155 = arith.addf %mul3A_152, %add3A_154 : vector<16xf32>
      %mul3A_156 = arith.mulf %add3A_155, %exp3A_145 : vector<16xf32>
      %add3A_157 = arith.constant 0.314589173 : f32
      %add3A_158 = vector.broadcast %add3A_157 : f32 to vector<16xf32>
      %add3A_159 = arith.addf %mul3A_156, %add3A_158 : vector<16xf32>
      %mul3A_160 = arith.mulf %add3A_159, %exp3A_145 : vector<16xf32>
      %add3A_161 = arith.constant -0.496977419 : f32
      %add3A_162 = vector.broadcast %add3A_161 : f32 to vector<16xf32>
      %add3A_163 = arith.addf %mul3A_160, %add3A_162 : vector<16xf32>
      %mul3A_164 = arith.mulf %add3A_163, %exp3A_145 : vector<16xf32>
      %add3A_165 = arith.constant 0.999792337 : f32
      %add3A_166 = vector.broadcast %add3A_165 : f32 to vector<16xf32>
      %add3A_167 = arith.addf %mul3A_164, %add3A_166 : vector<16xf32>
      %mul3A_168 = arith.mulf %add3A_167, %exp3A_145 : vector<16xf32>
      %add3A_169 = arith.constant 3.5110213E-6 : f32
      %add3A_170 = vector.broadcast %add3A_169 : f32 to vector<16xf32>
      %add3A_171 = arith.addf %mul3A_168, %add3A_170 : vector<16xf32>
      %max3A_172 = arith.constant 0.000000e+00 : f32
      %max3A_173 = vector.broadcast %max3A_172 : f32 to vector<16xf32>
      %max3A_174 = arith.maximumf %get3A_136, %max3A_173 : vector<16xf32>
      %mul3A_175 = arith.mulf %get3A_136, %get3A_140 : vector<16xf32>
      %sub3A_176 = arith.subf %max3A_174, %mul3A_175 : vector<16xf32>
      %add3A_177 = arith.addf %sub3A_176, %add3A_171 : vector<16xf32>
      %max3A_178 = arith.constant 0.000000e+00 : f32
      %max3A_179 = vector.broadcast %max3A_178 : f32 to vector<16xf32>
      %max3A_180 = arith.maximumf %add3A_177, %max3A_179 : vector<16xf32>
      %bitcast_convert_type3A_181 = tpu.bitcast %max3A_180 : vector<16xf32> -> vector<16xi32>
      %shift_right_logical3A_182 = arith.constant 19 : i32
      %shift_right_logical3A_183 = vector.broadcast %shift_right_logical3A_182 : i32 to vector<16xi32>
      %shift_right_logical3A_184 = arith.shrui %bitcast_convert_type3A_181, %shift_right_logical3A_183 : vector<16xi32>
      %shift_right_logical3A_185 = arith.constant 6 : i32
      %shift_right_logical3A_186 = vector.broadcast %shift_right_logical3A_185 : i32 to vector<16xi32>
      %shift_right_logical3A_187 = arith.shrui %shift_right_logical3A_184, %shift_right_logical3A_186 : vector<16xi32>
      %and3A_188 = arith.constant 63 : i32
      %and3A_189 = vector.broadcast %and3A_188 : i32 to vector<16xi32>
      %and3A_190 = arith.andi %shift_right_logical3A_184, %and3A_189 : vector<16xi32>
      tpu.vector_store_idx %arg7[%shift_right_logical3A_187, %and3A_190], %broadcast_in_dim3A_8 {add = true} : memref<64x64xf32, #tpu.memory_space<vmem>>[vector<16xi32>, vector<16xi32>], vector<16xf32>,
      %add3A_191 = arith.constant 48 : i32
      %add3A_192 = arith.addi %mul3A_25, %add3A_191 : i32
      %get3A_193 = arith.index_cast %add3A_192 : i32 to index
      %get3A_194 = tpu.vector_load %arg5[%get3A_193] {strides = array<i32>} : memref<2048xf32, #tpu.memory_space<vmem>>, vector<16xf32>,
      %add3A_195 = arith.constant 48 : i32
      %add3A_196 = arith.addi %mul3A_25, %add3A_195 : i32
      %get3A_197 = arith.index_cast %add3A_196 : i32 to index
      %get3A_198 = tpu.vector_load %arg6[%get3A_197] {strides = array<i32>} : memref<2048xf32, #tpu.memory_space<vmem>>, vector<16xf32>,
      %abs3A_199 = math.absf %get3A_194 : vector<16xf32>
      %neg3A_200 = arith.constant 0.000000e+00 : f32
      %neg3A_201 = vector.broadcast %neg3A_200 : f32 to vector<16xf32>
      %neg3A_202 = arith.subf %neg3A_201, %abs3A_199 : vector<16xf32>
      %exp3A_203 = math.exp %neg3A_202 : vector<16xf32>
      %broadcast_in_dim3A_204 = arith.constant -1.720780e-02 : f32
      %broadcast_in_dim3A_205 = vector.broadcast %broadcast_in_dim3A_204 : f32 to vector<16xf32>
      %mul3A_206 = arith.mulf %broadcast_in_dim3A_205, %exp3A_203 : vector<16xf32>
      %add3A_207 = arith.constant 0.0817256421 : f32
      %add3A_208 = vector.broadcast %add3A_207 : f32 to vector<16xf32>
      %add3A_209 = arith.addf %mul3A_206, %add3A_208 : vector<16xf32>
      %mul3A_210 = arith.mulf %add3A_209, %exp3A_203 : vector<16xf32>
      %add3A_211 = arith.constant -0.188780829 : f32
      %add3A_212 = vector.broadcast %add3A_211 : f32 to vector<16xf32>
      %add3A_213 = arith.addf %mul3A_210, %add3A_212 : vector<16xf32>
      %mul3A_214 = arith.mulf %add3A_213, %exp3A_203 : vector<16xf32>
      %add3A_215 = arith.constant 0.314589173 : f32
      %add3A_216 = vector.broadcast %add3A_215 : f32 to vector<16xf32>
      %add3A_217 = arith.addf %mul3A_214, %add3A_216 : vector<16xf32>
      %mul3A_218 = arith.mulf %add3A_217, %exp3A_203 : vector<16xf32>
      %add3A_219 = arith.constant -0.496977419 : f32
      %add3A_220 = vector.broadcast %add3A_219 : f32 to vector<16xf32>
      %add3A_221 = arith.addf %mul3A_218, %add3A_220 : vector<16xf32>
      %mul3A_222 = arith.mulf %add3A_221, %exp3A_203 : vector<16xf32>
      %add3A_223 = arith.constant 0.999792337 : f32
      %add3A_224 = vector.broadcast %add3A_223 : f32 to vector<16xf32>
      %add3A_225 = arith.addf %mul3A_222, %add3A_224 : vector<16xf32>
      %mul3A_226 = arith.mulf %add3A_225, %exp3A_203 : vector<16xf32>
      %add3A_227 = arith.constant 3.5110213E-6 : f32
      %add3A_228 = vector.broadcast %add3A_227 : f32 to vector<16xf32>
      %add3A_229 = arith.addf %mul3A_226, %add3A_228 : vector<16xf32>
      %max3A_230 = arith.constant 0.000000e+00 : f32
      %max3A_231 = vector.broadcast %max3A_230 : f32 to vector<16xf32>
      %max3A_232 = arith.maximumf %get3A_194, %max3A_231 : vector<16xf32>
      %mul3A_233 = arith.mulf %get3A_194, %get3A_198 : vector<16xf32>
      %sub3A_234 = arith.subf %max3A_232, %mul3A_233 : vector<16xf32>
      %add3A_235 = arith.addf %sub3A_234, %add3A_229 : vector<16xf32>
      %max3A_236 = arith.constant 0.000000e+00 : f32
      %max3A_237 = vector.broadcast %max3A_236 : f32 to vector<16xf32>
      %max3A_238 = arith.maximumf %add3A_235, %max3A_237 : vector<16xf32>
      %bitcast_convert_type3A_239 = tpu.bitcast %max3A_238 : vector<16xf32> -> vector<16xi32>
      %shift_right_logical3A_240 = arith.constant 19 : i32
      %shift_right_logical3A_241 = vector.broadcast %shift_right_logical3A_240 : i32 to vector<16xi32>
      %shift_right_logical3A_242 = arith.shrui %bitcast_convert_type3A_239, %shift_right_logical3A_241 : vector<16xi32>
      %shift_right_logical3A_243 = arith.constant 6 : i32
      %shift_right_logical3A_244 = vector.broadcast %shift_right_logical3A_243 : i32 to vector<16xi32>
      %shift_right_logical3A_245 = arith.shrui %shift_right_logical3A_242, %shift_right_logical3A_244 : vector<16xi32>
      %and3A_246 = arith.constant 63 : i32
      %and3A_247 = vector.broadcast %and3A_246 : i32 to vector<16xi32>
      %and3A_248 = arith.andi %shift_right_logical3A_242, %and3A_247 : vector<16xi32>
      tpu.vector_store_idx %arg8[%shift_right_logical3A_245, %and3A_248], %broadcast_in_dim3A_8 {add = true} : memref<64x64xf32, #tpu.memory_space<vmem>>[vector<16xi32>, vector<16xi32>], vector<16xf32>,
      %add3A_249 = arith.constant 64 : i32
      %add3A_250 = arith.addi %mul3A_25, %add3A_249 : i32
      %get3A_251 = arith.index_cast %add3A_250 : i32 to index
      %get3A_252 = tpu.vector_load %arg5[%get3A_251] {strides = array<i32>} : memref<2048xf32, #tpu.memory_space<vmem>>, vector<16xf32>,
      %add3A_253 = arith.constant 64 : i32
      %add3A_254 = arith.addi %mul3A_25, %add3A_253 : i32
      %get3A_255 = arith.index_cast %add3A_254 : i32 to index
      %get3A_256 = tpu.vector_load %arg6[%get3A_255] {strides = array<i32>} : memref<2048xf32, #tpu.memory_space<vmem>>, vector<16xf32>,
      %abs3A_257 = math.absf %get3A_252 : vector<16xf32>
      %neg3A_258 = arith.constant 0.000000e+00 : f32
      %neg3A_259 = vector.broadcast %neg3A_258 : f32 to vector<16xf32>
      %neg3A_260 = arith.subf %neg3A_259, %abs3A_257 : vector<16xf32>
      %exp3A_261 = math.exp %neg3A_260 : vector<16xf32>
      %broadcast_in_dim3A_262 = arith.constant -1.720780e-02 : f32
      %broadcast_in_dim3A_263 = vector.broadcast %broadcast_in_dim3A_262 : f32 to vector<16xf32>
      %mul3A_264 = arith.mulf %broadcast_in_dim3A_263, %exp3A_261 : vector<16xf32>
      %add3A_265 = arith.constant 0.0817256421 : f32
      %add3A_266 = vector.broadcast %add3A_265 : f32 to vector<16xf32>
      %add3A_267 = arith.addf %mul3A_264, %add3A_266 : vector<16xf32>
      %mul3A_268 = arith.mulf %add3A_267, %exp3A_261 : vector<16xf32>
      %add3A_269 = arith.constant -0.188780829 : f32
      %add3A_270 = vector.broadcast %add3A_269 : f32 to vector<16xf32>
      %add3A_271 = arith.addf %mul3A_268, %add3A_270 : vector<16xf32>
      %mul3A_272 = arith.mulf %add3A_271, %exp3A_261 : vector<16xf32>
      %add3A_273 = arith.constant 0.314589173 : f32
      %add3A_274 = vector.broadcast %add3A_273 : f32 to vector<16xf32>
      %add3A_275 = arith.addf %mul3A_272, %add3A_274 : vector<16xf32>
      %mul3A_276 = arith.mulf %add3A_275, %exp3A_261 : vector<16xf32>
      %add3A_277 = arith.constant -0.496977419 : f32
      %add3A_278 = vector.broadcast %add3A_277 : f32 to vector<16xf32>
      %add3A_279 = arith.addf %mul3A_276, %add3A_278 : vector<16xf32>
      %mul3A_280 = arith.mulf %add3A_279, %exp3A_261 : vector<16xf32>
      %add3A_281 = arith.constant 0.999792337 : f32
      %add3A_282 = vector.broadcast %add3A_281 : f32 to vector<16xf32>
      %add3A_283 = arith.addf %mul3A_280, %add3A_282 : vector<16xf32>
      %mul3A_284 = arith.mulf %add3A_283, %exp3A_261 : vector<16xf32>
      %add3A_285 = arith.constant 3.5110213E-6 : f32
      %add3A_286 = vector.broadcast %add3A_285 : f32 to vector<16xf32>
      %add3A_287 = arith.addf %mul3A_284, %add3A_286 : vector<16xf32>
      %max3A_288 = arith.constant 0.000000e+00 : f32
      %max3A_289 = vector.broadcast %max3A_288 : f32 to vector<16xf32>
      %max3A_290 = arith.maximumf %get3A_252, %max3A_289 : vector<16xf32>
      %mul3A_291 = arith.mulf %get3A_252, %get3A_256 : vector<16xf32>
      %sub3A_292 = arith.subf %max3A_290, %mul3A_291 : vector<16xf32>
      %add3A_293 = arith.addf %sub3A_292, %add3A_287 : vector<16xf32>
      %max3A_294 = arith.constant 0.000000e+00 : f32
      %max3A_295 = vector.broadcast %max3A_294 : f32 to vector<16xf32>
      %max3A_296 = arith.maximumf %add3A_293, %max3A_295 : vector<16xf32>
      %bitcast_convert_type3A_297 = tpu.bitcast %max3A_296 : vector<16xf32> -> vector<16xi32>
      %shift_right_logical3A_298 = arith.constant 19 : i32
      %shift_right_logical3A_299 = vector.broadcast %shift_right_logical3A_298 : i32 to vector<16xi32>
      %shift_right_logical3A_300 = arith.shrui %bitcast_convert_type3A_297, %shift_right_logical3A_299 : vector<16xi32>
      %shift_right_logical3A_301 = arith.constant 6 : i32
      %shift_right_logical3A_302 = vector.broadcast %shift_right_logical3A_301 : i32 to vector<16xi32>
      %shift_right_logical3A_303 = arith.shrui %shift_right_logical3A_300, %shift_right_logical3A_302 : vector<16xi32>
      %and3A_304 = arith.constant 63 : i32
      %and3A_305 = vector.broadcast %and3A_304 : i32 to vector<16xi32>
      %and3A_306 = arith.andi %shift_right_logical3A_300, %and3A_305 : vector<16xi32>
      tpu.vector_store_idx %arg7[%shift_right_logical3A_303, %and3A_306], %broadcast_in_dim3A_8 {add = true} : memref<64x64xf32, #tpu.memory_space<vmem>>[vector<16xi32>, vector<16xi32>], vector<16xf32>,
      %add3A_307 = arith.constant 80 : i32
      %add3A_308 = arith.addi %mul3A_25, %add3A_307 : i32
      %get3A_309 = arith.index_cast %add3A_308 : i32 to index
      %get3A_310 = tpu.vector_load %arg5[%get3A_309] {strides = array<i32>} : memref<2048xf32, #tpu.memory_space<vmem>>, vector<16xf32>,
      %add3A_311 = arith.constant 80 : i32
      %add3A_312 = arith.addi %mul3A_25, %add3A_311 : i32
      %get3A_313 = arith.index_cast %add3A_312 : i32 to index
      %get3A_314 = tpu.vector_load %arg6[%get3A_313] {strides = array<i32>} : memref<2048xf32, #tpu.memory_space<vmem>>, vector<16xf32>,
      %abs3A_315 = math.absf %get3A_310 : vector<16xf32>
      %neg3A_316 = arith.constant 0.000000e+00 : f32
      %neg3A_317 = vector.broadcast %neg3A_316 : f32 to vector<16xf32>
      %neg3A_318 = arith.subf %neg3A_317, %abs3A_315 : vector<16xf32>
      %exp3A_319 = math.exp %neg3A_318 : vector<16xf32>
      %broadcast_in_dim3A_320 = arith.constant -1.720780e-02 : f32
      %broadcast_in_dim3A_321 = vector.broadcast %broadcast_in_dim3A_320 : f32 to vector<16xf32>
      %mul3A_322 = arith.mulf %broadcast_in_dim3A_321, %exp3A_319 : vector<16xf32>
      %add3A_323 = arith.constant 0.0817256421 : f32
      %add3A_324 = vector.broadcast %add3A_323 : f32 to vector<16xf32>
      %add3A_325 = arith.addf %mul3A_322, %add3A_324 : vector<16xf32>
      %mul3A_326 = arith.mulf %add3A_325, %exp3A_319 : vector<16xf32>
      %add3A_327 = arith.constant -0.188780829 : f32
      %add3A_328 = vector.broadcast %add3A_327 : f32 to vector<16xf32>
      %add3A_329 = arith.addf %mul3A_326, %add3A_328 : vector<16xf32>
      %mul3A_330 = arith.mulf %add3A_329, %exp3A_319 : vector<16xf32>
      %add3A_331 = arith.constant 0.314589173 : f32
      %add3A_332 = vector.broadcast %add3A_331 : f32 to vector<16xf32>
      %add3A_333 = arith.addf %mul3A_330, %add3A_332 : vector<16xf32>
      %mul3A_334 = arith.mulf %add3A_333, %exp3A_319 : vector<16xf32>
      %add3A_335 = arith.constant -0.496977419 : f32
      %add3A_336 = vector.broadcast %add3A_335 : f32 to vector<16xf32>
      %add3A_337 = arith.addf %mul3A_334, %add3A_336 : vector<16xf32>
      %mul3A_338 = arith.mulf %add3A_337, %exp3A_319 : vector<16xf32>
      %add3A_339 = arith.constant 0.999792337 : f32
      %add3A_340 = vector.broadcast %add3A_339 : f32 to vector<16xf32>
      %add3A_341 = arith.addf %mul3A_338, %add3A_340 : vector<16xf32>
      %mul3A_342 = arith.mulf %add3A_341, %exp3A_319 : vector<16xf32>
      %add3A_343 = arith.constant 3.5110213E-6 : f32
      %add3A_344 = vector.broadcast %add3A_343 : f32 to vector<16xf32>
      %add3A_345 = arith.addf %mul3A_342, %add3A_344 : vector<16xf32>
      %max3A_346 = arith.constant 0.000000e+00 : f32
      %max3A_347 = vector.broadcast %max3A_346 : f32 to vector<16xf32>
      %max3A_348 = arith.maximumf %get3A_310, %max3A_347 : vector<16xf32>
      %mul3A_349 = arith.mulf %get3A_310, %get3A_314 : vector<16xf32>
      %sub3A_350 = arith.subf %max3A_348, %mul3A_349 : vector<16xf32>
      %add3A_351 = arith.addf %sub3A_350, %add3A_345 : vector<16xf32>
      %max3A_352 = arith.constant 0.000000e+00 : f32
      %max3A_353 = vector.broadcast %max3A_352 : f32 to vector<16xf32>
      %max3A_354 = arith.maximumf %add3A_351, %max3A_353 : vector<16xf32>
      %bitcast_convert_type3A_355 = tpu.bitcast %max3A_354 : vector<16xf32> -> vector<16xi32>
      %shift_right_logical3A_356 = arith.constant 19 : i32
      %shift_right_logical3A_357 = vector.broadcast %shift_right_logical3A_356 : i32 to vector<16xi32>
      %shift_right_logical3A_358 = arith.shrui %bitcast_convert_type3A_355, %shift_right_logical3A_357 : vector<16xi32>
      %shift_right_logical3A_359 = arith.constant 6 : i32
      %shift_right_logical3A_360 = vector.broadcast %shift_right_logical3A_359 : i32 to vector<16xi32>
      %shift_right_logical3A_361 = arith.shrui %shift_right_logical3A_358, %shift_right_logical3A_360 : vector<16xi32>
      %and3A_362 = arith.constant 63 : i32
      %and3A_363 = vector.broadcast %and3A_362 : i32 to vector<16xi32>
      %and3A_364 = arith.andi %shift_right_logical3A_358, %and3A_363 : vector<16xi32>
      tpu.vector_store_idx %arg8[%shift_right_logical3A_361, %and3A_364], %broadcast_in_dim3A_8 {add = true} : memref<64x64xf32, #tpu.memory_space<vmem>>[vector<16xi32>, vector<16xi32>], vector<16xf32>,
      %add3A_365 = arith.constant 96 : i32
      %add3A_366 = arith.addi %mul3A_25, %add3A_365 : i32
      %get3A_367 = arith.index_cast %add3A_366 : i32 to index
      %get3A_368 = tpu.vector_load %arg5[%get3A_367] {strides = array<i32>} : memref<2048xf32, #tpu.memory_space<vmem>>, vector<16xf32>,
      %add3A_369 = arith.constant 96 : i32
      %add3A_370 = arith.addi %mul3A_25, %add3A_369 : i32
      %get3A_371 = arith.index_cast %add3A_370 : i32 to index
      %get3A_372 = tpu.vector_load %arg6[%get3A_371] {strides = array<i32>} : memref<2048xf32, #tpu.memory_space<vmem>>, vector<16xf32>,
      %abs3A_373 = math.absf %get3A_368 : vector<16xf32>
      %neg3A_374 = arith.constant 0.000000e+00 : f32
      %neg3A_375 = vector.broadcast %neg3A_374 : f32 to vector<16xf32>
      %neg3A_376 = arith.subf %neg3A_375, %abs3A_373 : vector<16xf32>
      %exp3A_377 = math.exp %neg3A_376 : vector<16xf32>
      %broadcast_in_dim3A_378 = arith.constant -1.720780e-02 : f32
      %broadcast_in_dim3A_379 = vector.broadcast %broadcast_in_dim3A_378 : f32 to vector<16xf32>
      %mul3A_380 = arith.mulf %broadcast_in_dim3A_379, %exp3A_377 : vector<16xf32>
      %add3A_381 = arith.constant 0.0817256421 : f32
      %add3A_382 = vector.broadcast %add3A_381 : f32 to vector<16xf32>
      %add3A_383 = arith.addf %mul3A_380, %add3A_382 : vector<16xf32>
      %mul3A_384 = arith.mulf %add3A_383, %exp3A_377 : vector<16xf32>
      %add3A_385 = arith.constant -0.188780829 : f32
      %add3A_386 = vector.broadcast %add3A_385 : f32 to vector<16xf32>
      %add3A_387 = arith.addf %mul3A_384, %add3A_386 : vector<16xf32>
      %mul3A_388 = arith.mulf %add3A_387, %exp3A_377 : vector<16xf32>
      %add3A_389 = arith.constant 0.314589173 : f32
      %add3A_390 = vector.broadcast %add3A_389 : f32 to vector<16xf32>
      %add3A_391 = arith.addf %mul3A_388, %add3A_390 : vector<16xf32>
      %mul3A_392 = arith.mulf %add3A_391, %exp3A_377 : vector<16xf32>
      %add3A_393 = arith.constant -0.496977419 : f32
      %add3A_394 = vector.broadcast %add3A_393 : f32 to vector<16xf32>
      %add3A_395 = arith.addf %mul3A_392, %add3A_394 : vector<16xf32>
      %mul3A_396 = arith.mulf %add3A_395, %exp3A_377 : vector<16xf32>
      %add3A_397 = arith.constant 0.999792337 : f32
      %add3A_398 = vector.broadcast %add3A_397 : f32 to vector<16xf32>
      %add3A_399 = arith.addf %mul3A_396, %add3A_398 : vector<16xf32>
      %mul3A_400 = arith.mulf %add3A_399, %exp3A_377 : vector<16xf32>
      %add3A_401 = arith.constant 3.5110213E-6 : f32
      %add3A_402 = vector.broadcast %add3A_401 : f32 to vector<16xf32>
      %add3A_403 = arith.addf %mul3A_400, %add3A_402 : vector<16xf32>
      %max3A_404 = arith.constant 0.000000e+00 : f32
      %max3A_405 = vector.broadcast %max3A_404 : f32 to vector<16xf32>
      %max3A_406 = arith.maximumf %get3A_368, %max3A_405 : vector<16xf32>
      %mul3A_407 = arith.mulf %get3A_368, %get3A_372 : vector<16xf32>
      %sub3A_408 = arith.subf %max3A_406, %mul3A_407 : vector<16xf32>
      %add3A_409 = arith.addf %sub3A_408, %add3A_403 : vector<16xf32>
      %max3A_410 = arith.constant 0.000000e+00 : f32
      %max3A_411 = vector.broadcast %max3A_410 : f32 to vector<16xf32>
      %max3A_412 = arith.maximumf %add3A_409, %max3A_411 : vector<16xf32>
      %bitcast_convert_type3A_413 = tpu.bitcast %max3A_412 : vector<16xf32> -> vector<16xi32>
      %shift_right_logical3A_414 = arith.constant 19 : i32
      %shift_right_logical3A_415 = vector.broadcast %shift_right_logical3A_414 : i32 to vector<16xi32>
      %shift_right_logical3A_416 = arith.shrui %bitcast_convert_type3A_413, %shift_right_logical3A_415 : vector<16xi32>
      %shift_right_logical3A_417 = arith.constant 6 : i32
      %shift_right_logical3A_418 = vector.broadcast %shift_right_logical3A_417 : i32 to vector<16xi32>
      %shift_right_logical3A_419 = arith.shrui %shift_right_logical3A_416, %shift_right_logical3A_418 : vector<16xi32>
      %and3A_420 = arith.constant 63 : i32
      %and3A_421 = vector.broadcast %and3A_420 : i32 to vector<16xi32>
      %and3A_422 = arith.andi %shift_right_logical3A_416, %and3A_421 : vector<16xi32>
      tpu.vector_store_idx %arg7[%shift_right_logical3A_419, %and3A_422], %broadcast_in_dim3A_8 {add = true} : memref<64x64xf32, #tpu.memory_space<vmem>>[vector<16xi32>, vector<16xi32>], vector<16xf32>,
      %add3A_423 = arith.constant 112 : i32
      %add3A_424 = arith.addi %mul3A_25, %add3A_423 : i32
      %get3A_425 = arith.index_cast %add3A_424 : i32 to index
      %get3A_426 = tpu.vector_load %arg5[%get3A_425] {strides = array<i32>} : memref<2048xf32, #tpu.memory_space<vmem>>, vector<16xf32>,
      %add3A_427 = arith.constant 112 : i32
      %add3A_428 = arith.addi %mul3A_25, %add3A_427 : i32
      %get3A_429 = arith.index_cast %add3A_428 : i32 to index
      %get3A_430 = tpu.vector_load %arg6[%get3A_429] {strides = array<i32>} : memref<2048xf32, #tpu.memory_space<vmem>>, vector<16xf32>,
      %abs3A_431 = math.absf %get3A_426 : vector<16xf32>
      %neg3A_432 = arith.constant 0.000000e+00 : f32
      %neg3A_433 = vector.broadcast %neg3A_432 : f32 to vector<16xf32>
      %neg3A_434 = arith.subf %neg3A_433, %abs3A_431 : vector<16xf32>
      %exp3A_435 = math.exp %neg3A_434 : vector<16xf32>
      %broadcast_in_dim3A_436 = arith.constant -1.720780e-02 : f32
      %broadcast_in_dim3A_437 = vector.broadcast %broadcast_in_dim3A_436 : f32 to vector<16xf32>
      %mul3A_438 = arith.mulf %broadcast_in_dim3A_437, %exp3A_435 : vector<16xf32>
      %add3A_439 = arith.constant 0.0817256421 : f32
      %add3A_440 = vector.broadcast %add3A_439 : f32 to vector<16xf32>
      %add3A_441 = arith.addf %mul3A_438, %add3A_440 : vector<16xf32>
      %mul3A_442 = arith.mulf %add3A_441, %exp3A_435 : vector<16xf32>
      %add3A_443 = arith.constant -0.188780829 : f32
      %add3A_444 = vector.broadcast %add3A_443 : f32 to vector<16xf32>
      %add3A_445 = arith.addf %mul3A_442, %add3A_444 : vector<16xf32>
      %mul3A_446 = arith.mulf %add3A_445, %exp3A_435 : vector<16xf32>
      %add3A_447 = arith.constant 0.314589173 : f32
      %add3A_448 = vector.broadcast %add3A_447 : f32 to vector<16xf32>
      %add3A_449 = arith.addf %mul3A_446, %add3A_448 : vector<16xf32>
      %mul3A_450 = arith.mulf %add3A_449, %exp3A_435 : vector<16xf32>
      %add3A_451 = arith.constant -0.496977419 : f32
      %add3A_452 = vector.broadcast %add3A_451 : f32 to vector<16xf32>
      %add3A_453 = arith.addf %mul3A_450, %add3A_452 : vector<16xf32>
      %mul3A_454 = arith.mulf %add3A_453, %exp3A_435 : vector<16xf32>
      %add3A_455 = arith.constant 0.999792337 : f32
      %add3A_456 = vector.broadcast %add3A_455 : f32 to vector<16xf32>
      %add3A_457 = arith.addf %mul3A_454, %add3A_456 : vector<16xf32>
      %mul3A_458 = arith.mulf %add3A_457, %exp3A_435 : vector<16xf32>
      %add3A_459 = arith.constant 3.5110213E-6 : f32
      %add3A_460 = vector.broadcast %add3A_459 : f32 to vector<16xf32>
      %add3A_461 = arith.addf %mul3A_458, %add3A_460 : vector<16xf32>
      %max3A_462 = arith.constant 0.000000e+00 : f32
      %max3A_463 = vector.broadcast %max3A_462 : f32 to vector<16xf32>
      %max3A_464 = arith.maximumf %get3A_426, %max3A_463 : vector<16xf32>
      %mul3A_465 = arith.mulf %get3A_426, %get3A_430 : vector<16xf32>
      %sub3A_466 = arith.subf %max3A_464, %mul3A_465 : vector<16xf32>
      %add3A_467 = arith.addf %sub3A_466, %add3A_461 : vector<16xf32>
      %max3A_468 = arith.constant 0.000000e+00 : f32
      %max3A_469 = vector.broadcast %max3A_468 : f32 to vector<16xf32>
      %max3A_470 = arith.maximumf %add3A_467, %max3A_469 : vector<16xf32>
      %bitcast_convert_type3A_471 = tpu.bitcast %max3A_470 : vector<16xf32> -> vector<16xi32>
      %shift_right_logical3A_472 = arith.constant 19 : i32
      %shift_right_logical3A_473 = vector.broadcast %shift_right_logical3A_472 : i32 to vector<16xi32>
      %shift_right_logical3A_474 = arith.shrui %bitcast_convert_type3A_471, %shift_right_logical3A_473 : vector<16xi32>
      %shift_right_logical3A_475 = arith.constant 6 : i32
      %shift_right_logical3A_476 = vector.broadcast %shift_right_logical3A_475 : i32 to vector<16xi32>
      %shift_right_logical3A_477 = arith.shrui %shift_right_logical3A_474, %shift_right_logical3A_476 : vector<16xi32>
      %and3A_478 = arith.constant 63 : i32
      %and3A_479 = vector.broadcast %and3A_478 : i32 to vector<16xi32>
      %and3A_480 = arith.andi %shift_right_logical3A_474, %and3A_479 : vector<16xi32>
      tpu.vector_store_idx %arg8[%shift_right_logical3A_477, %and3A_480], %broadcast_in_dim3A_8 {add = true} : memref<64x64xf32, #tpu.memory_space<vmem>>[vector<16xi32>, vector<16xi32>], vector<16xf32>,
    }
    %scan3A_14 = arith.constant 16 : i32
    %scan3A_15 = arith.constant 0 : i32
    %scan3A_16 = arith.constant 0 : i32
    %scan3A_17 = arith.constant 16 : i32
    %scan3A_18 = arith.addi %scan3A_16, %scan3A_17 : i32
    %scan3A_19 = arith.constant 1 : i32
    scf.for %scan3A_21 = %scan3A_16 to %scan3A_18 step %scan3A_19  : i32 {
      %mul3A_22 = arith.constant 4 : i32
      %mul3A_23 = arith.muli %scan3A_21, %mul3A_22 : i32
      %add3A_24 = arith.constant 0 : i32
      %add3A_25 = arith.addi %mul3A_23, %add3A_24 : i32
      %get3A = arith.index_cast %add3A_25 : i32 to index
      %get3A_26 = arith.constant 0 : index
      %get3A_27 = tpu.vector_load %arg7[%get3A, %get3A_26] {strides = array<i32>} : memref<64x64xf32, #tpu.memory_space<vmem>>, vector<16xf32>,
      %get3A_28 = arith.index_cast %add3A_25 : i32 to index
      %get3A_29 = arith.constant 0 : index
      %get3A_30 = tpu.vector_load %arg8[%get3A_28, %get3A_29] {strides = array<i32>} : memref<64x64xf32, #tpu.memory_space<vmem>>, vector<16xf32>,
      %add3A_31 = arith.addf %get3A_27, %get3A_30 : vector<16xf32>
      %swap3A = arith.index_cast %add3A_25 : i32 to index
      %swap3A_32 = arith.constant 0 : index
      %swap3A_33 = tpu.vector_load %arg7[%swap3A, %swap3A_32] {strides = array<i32>} : memref<64x64xf32, #tpu.memory_space<vmem>>, vector<16xf32>,
      tpu.vector_store %arg7[%swap3A, %swap3A_32], %add3A_31 {strides = array<i32>} : memref<64x64xf32, #tpu.memory_space<vmem>>, vector<16xf32>,
      %mul3A_34 = arith.constant 4 : i32
      %mul3A_35 = arith.muli %scan3A_21, %mul3A_34 : i32
      %add3A_36 = arith.constant 0 : i32
      %add3A_37 = arith.addi %mul3A_35, %add3A_36 : i32
      %get3A_38 = arith.index_cast %add3A_37 : i32 to index
      %get3A_39 = arith.constant 16 : index
      %get3A_40 = tpu.vector_load %arg7[%get3A_38, %get3A_39] {strides = array<i32>} : memref<64x64xf32, #tpu.memory_space<vmem>>, vector<16xf32>,
      %get3A_41 = arith.index_cast %add3A_37 : i32 to index
      %get3A_42 = arith.constant 16 : index
      %get3A_43 = tpu.vector_load %arg8[%get3A_41, %get3A_42] {strides = array<i32>} : memref<64x64xf32, #tpu.memory_space<vmem>>, vector<16xf32>,
      %add3A_44 = arith.addf %get3A_40, %get3A_43 : vector<16xf32>
      %swap3A_45 = arith.index_cast %add3A_37 : i32 to index
      %swap3A_46 = arith.constant 16 : index
      %swap3A_47 = tpu.vector_load %arg7[%swap3A_45, %swap3A_46] {strides = array<i32>} : memref<64x64xf32, #tpu.memory_space<vmem>>, vector<16xf32>,
      tpu.vector_store %arg7[%swap3A_45, %swap3A_46], %add3A_44 {strides = array<i32>} : memref<64x64xf32, #tpu.memory_space<vmem>>, vector<16xf32>,
      %mul3A_48 = arith.constant 4 : i32
      %mul3A_49 = arith.muli %scan3A_21, %mul3A_48 : i32
      %add3A_50 = arith.constant 0 : i32
      %add3A_51 = arith.addi %mul3A_49, %add3A_50 : i32
      %get3A_52 = arith.index_cast %add3A_51 : i32 to index
      %get3A_53 = arith.constant 32 : index
      %get3A_54 = tpu.vector_load %arg7[%get3A_52, %get3A_53] {strides = array<i32>} : memref<64x64xf32, #tpu.memory_space<vmem>>, vector<16xf32>,
      %get3A_55 = arith.index_cast %add3A_51 : i32 to index
      %get3A_56 = arith.constant 32 : index
      %get3A_57 = tpu.vector_load %arg8[%get3A_55, %get3A_56] {strides = array<i32>} : memref<64x64xf32, #tpu.memory_space<vmem>>, vector<16xf32>,
      %add3A_58 = arith.addf %get3A_54, %get3A_57 : vector<16xf32>
      %swap3A_59 = arith.index_cast %add3A_51 : i32 to index
      %swap3A_60 = arith.constant 32 : index
      %swap3A_61 = tpu.vector_load %arg7[%swap3A_59, %swap3A_60] {strides = array<i32>} : memref<64x64xf32, #tpu.memory_space<vmem>>, vector<16xf32>,
      tpu.vector_store %arg7[%swap3A_59, %swap3A_60], %add3A_58 {strides = array<i32>} : memref<64x64xf32, #tpu.memory_space<vmem>>, vector<16xf32>,
      %mul3A_62 = arith.constant 4 : i32
      %mul3A_63 = arith.muli %scan3A_21, %mul3A_62 : i32
      %add3A_64 = arith.constant 0 : i32
      %add3A_65 = arith.addi %mul3A_63, %add3A_64 : i32
      %get3A_66 = arith.index_cast %add3A_65 : i32 to index
      %get3A_67 = arith.constant 48 : index
      %get3A_68 = tpu.vector_load %arg7[%get3A_66, %get3A_67] {strides = array<i32>} : memref<64x64xf32, #tpu.memory_space<vmem>>, vector<16xf32>,
      %get3A_69 = arith.index_cast %add3A_65 : i32 to index
      %get3A_70 = arith.constant 48 : index
      %get3A_71 = tpu.vector_load %arg8[%get3A_69, %get3A_70] {strides = array<i32>} : memref<64x64xf32, #tpu.memory_space<vmem>>, vector<16xf32>,
      %add3A_72 = arith.addf %get3A_68, %get3A_71 : vector<16xf32>
      %swap3A_73 = arith.index_cast %add3A_65 : i32 to index
      %swap3A_74 = arith.constant 48 : index
      %swap3A_75 = tpu.vector_load %arg7[%swap3A_73, %swap3A_74] {strides = array<i32>} : memref<64x64xf32, #tpu.memory_space<vmem>>, vector<16xf32>,
      tpu.vector_store %arg7[%swap3A_73, %swap3A_74], %add3A_72 {strides = array<i32>} : memref<64x64xf32, #tpu.memory_space<vmem>>, vector<16xf32>,
      %mul3A_76 = arith.constant 4 : i32
      %mul3A_77 = arith.muli %scan3A_21, %mul3A_76 : i32
      %add3A_78 = arith.constant 1 : i32
      %add3A_79 = arith.addi %mul3A_77, %add3A_78 : i32
      %get3A_80 = arith.index_cast %add3A_79 : i32 to index
      %get3A_81 = arith.constant 0 : index
      %get3A_82 = tpu.vector_load %arg7[%get3A_80, %get3A_81] {strides = array<i32>} : memref<64x64xf32, #tpu.memory_space<vmem>>, vector<16xf32>,
      %get3A_83 = arith.index_cast %add3A_79 : i32 to index
      %get3A_84 = arith.constant 0 : index
      %get3A_85 = tpu.vector_load %arg8[%get3A_83, %get3A_84] {strides = array<i32>} : memref<64x64xf32, #tpu.memory_space<vmem>>, vector<16xf32>,
      %add3A_86 = arith.addf %get3A_82, %get3A_85 : vector<16xf32>
      %swap3A_87 = arith.index_cast %add3A_79 : i32 to index
      %swap3A_88 = arith.constant 0 : index
      %swap3A_89 = tpu.vector_load %arg7[%swap3A_87, %swap3A_88] {strides = array<i32>} : memref<64x64xf32, #tpu.memory_space<vmem>>, vector<16xf32>,
      tpu.vector_store %arg7[%swap3A_87, %swap3A_88], %add3A_86 {strides = array<i32>} : memref<64x64xf32, #tpu.memory_space<vmem>>, vector<16xf32>,
      %mul3A_90 = arith.constant 4 : i32
      %mul3A_91 = arith.muli %scan3A_21, %mul3A_90 : i32
      %add3A_92 = arith.constant 1 : i32
      %add3A_93 = arith.addi %mul3A_91, %add3A_92 : i32
      %get3A_94 = arith.index_cast %add3A_93 : i32 to index
      %get3A_95 = arith.constant 16 : index
      %get3A_96 = tpu.vector_load %arg7[%get3A_94, %get3A_95] {strides = array<i32>} : memref<64x64xf32, #tpu.memory_space<vmem>>, vector<16xf32>,
      %get3A_97 = arith.index_cast %add3A_93 : i32 to index
      %get3A_98 = arith.constant 16 : index
      %get3A_99 = tpu.vector_load %arg8[%get3A_97, %get3A_98] {strides = array<i32>} : memref<64x64xf32, #tpu.memory_space<vmem>>, vector<16xf32>,
      %add3A_100 = arith.addf %get3A_96, %get3A_99 : vector<16xf32>
      %swap3A_101 = arith.index_cast %add3A_93 : i32 to index
      %swap3A_102 = arith.constant 16 : index
      %swap3A_103 = tpu.vector_load %arg7[%swap3A_101, %swap3A_102] {strides = array<i32>} : memref<64x64xf32, #tpu.memory_space<vmem>>, vector<16xf32>,
      tpu.vector_store %arg7[%swap3A_101, %swap3A_102], %add3A_100 {strides = array<i32>} : memref<64x64xf32, #tpu.memory_space<vmem>>, vector<16xf32>,
      %mul3A_104 = arith.constant 4 : i32
      %mul3A_105 = arith.muli %scan3A_21, %mul3A_104 : i32
      %add3A_106 = arith.constant 1 : i32
      %add3A_107 = arith.addi %mul3A_105, %add3A_106 : i32
      %get3A_108 = arith.index_cast %add3A_107 : i32 to index
      %get3A_109 = arith.constant 32 : index
      %get3A_110 = tpu.vector_load %arg7[%get3A_108, %get3A_109] {strides = array<i32>} : memref<64x64xf32, #tpu.memory_space<vmem>>, vector<16xf32>,
      %get3A_111 = arith.index_cast %add3A_107 : i32 to index
      %get3A_112 = arith.constant 32 : index
      %get3A_113 = tpu.vector_load %arg8[%get3A_111, %get3A_112] {strides = array<i32>} : memref<64x64xf32, #tpu.memory_space<vmem>>, vector<16xf32>,
      %add3A_114 = arith.addf %get3A_110, %get3A_113 : vector<16xf32>
      %swap3A_115 = arith.index_cast %add3A_107 : i32 to index
      %swap3A_116 = arith.constant 32 : index
      %swap3A_117 = tpu.vector_load %arg7[%swap3A_115, %swap3A_116] {strides = array<i32>} : memref<64x64xf32, #tpu.memory_space<vmem>>, vector<16xf32>,
      tpu.vector_store %arg7[%swap3A_115, %swap3A_116], %add3A_114 {strides = array<i32>} : memref<64x64xf32, #tpu.memory_space<vmem>>, vector<16xf32>,
      %mul3A_118 = arith.constant 4 : i32
      %mul3A_119 = arith.muli %scan3A_21, %mul3A_118 : i32
      %add3A_120 = arith.constant 1 : i32
      %add3A_121 = arith.addi %mul3A_119, %add3A_120 : i32
      %get3A_122 = arith.index_cast %add3A_121 : i32 to index
      %get3A_123 = arith.constant 48 : index
      %get3A_124 = tpu.vector_load %arg7[%get3A_122, %get3A_123] {strides = array<i32>} : memref<64x64xf32, #tpu.memory_space<vmem>>, vector<16xf32>,
      %get3A_125 = arith.index_cast %add3A_121 : i32 to index
      %get3A_126 = arith.constant 48 : index
      %get3A_127 = tpu.vector_load %arg8[%get3A_125, %get3A_126] {strides = array<i32>} : memref<64x64xf32, #tpu.memory_space<vmem>>, vector<16xf32>,
      %add3A_128 = arith.addf %get3A_124, %get3A_127 : vector<16xf32>
      %swap3A_129 = arith.index_cast %add3A_121 : i32 to index
      %swap3A_130 = arith.constant 48 : index
      %swap3A_131 = tpu.vector_load %arg7[%swap3A_129, %swap3A_130] {strides = array<i32>} : memref<64x64xf32, #tpu.memory_space<vmem>>, vector<16xf32>,
      tpu.vector_store %arg7[%swap3A_129, %swap3A_130], %add3A_128 {strides = array<i32>} : memref<64x64xf32, #tpu.memory_space<vmem>>, vector<16xf32>,
      %mul3A_132 = arith.constant 4 : i32
      %mul3A_133 = arith.muli %scan3A_21, %mul3A_132 : i32
      %add3A_134 = arith.constant 2 : i32
      %add3A_135 = arith.addi %mul3A_133, %add3A_134 : i32
      %get3A_136 = arith.index_cast %add3A_135 : i32 to index
      %get3A_137 = arith.constant 0 : index
      %get3A_138 = tpu.vector_load %arg7[%get3A_136, %get3A_137] {strides = array<i32>} : memref<64x64xf32, #tpu.memory_space<vmem>>, vector<16xf32>,
      %get3A_139 = arith.index_cast %add3A_135 : i32 to index
      %get3A_140 = arith.constant 0 : index
      %get3A_141 = tpu.vector_load %arg8[%get3A_139, %get3A_140] {strides = array<i32>} : memref<64x64xf32, #tpu.memory_space<vmem>>, vector<16xf32>,
      %add3A_142 = arith.addf %get3A_138, %get3A_141 : vector<16xf32>
      %swap3A_143 = arith.index_cast %add3A_135 : i32 to index
      %swap3A_144 = arith.constant 0 : index
      %swap3A_145 = tpu.vector_load %arg7[%swap3A_143, %swap3A_144] {strides = array<i32>} : memref<64x64xf32, #tpu.memory_space<vmem>>, vector<16xf32>,
      tpu.vector_store %arg7[%swap3A_143, %swap3A_144], %add3A_142 {strides = array<i32>} : memref<64x64xf32, #tpu.memory_space<vmem>>, vector<16xf32>,
      %mul3A_146 = arith.constant 4 : i32
      %mul3A_147 = arith.muli %scan3A_21, %mul3A_146 : i32
      %add3A_148 = arith.constant 2 : i32
      %add3A_149 = arith.addi %mul3A_147, %add3A_148 : i32
      %get3A_150 = arith.index_cast %add3A_149 : i32 to index
      %get3A_151 = arith.constant 16 : index
      %get3A_152 = tpu.vector_load %arg7[%get3A_150, %get3A_151] {strides = array<i32>} : memref<64x64xf32, #tpu.memory_space<vmem>>, vector<16xf32>,
      %get3A_153 = arith.index_cast %add3A_149 : i32 to index
      %get3A_154 = arith.constant 16 : index
      %get3A_155 = tpu.vector_load %arg8[%get3A_153, %get3A_154] {strides = array<i32>} : memref<64x64xf32, #tpu.memory_space<vmem>>, vector<16xf32>,
      %add3A_156 = arith.addf %get3A_152, %get3A_155 : vector<16xf32>
      %swap3A_157 = arith.index_cast %add3A_149 : i32 to index
      %swap3A_158 = arith.constant 16 : index
      %swap3A_159 = tpu.vector_load %arg7[%swap3A_157, %swap3A_158] {strides = array<i32>} : memref<64x64xf32, #tpu.memory_space<vmem>>, vector<16xf32>,
      tpu.vector_store %arg7[%swap3A_157, %swap3A_158], %add3A_156 {strides = array<i32>} : memref<64x64xf32, #tpu.memory_space<vmem>>, vector<16xf32>,
      %mul3A_160 = arith.constant 4 : i32
      %mul3A_161 = arith.muli %scan3A_21, %mul3A_160 : i32
      %add3A_162 = arith.constant 2 : i32
      %add3A_163 = arith.addi %mul3A_161, %add3A_162 : i32
      %get3A_164 = arith.index_cast %add3A_163 : i32 to index
      %get3A_165 = arith.constant 32 : index
      %get3A_166 = tpu.vector_load %arg7[%get3A_164, %get3A_165] {strides = array<i32>} : memref<64x64xf32, #tpu.memory_space<vmem>>, vector<16xf32>,
      %get3A_167 = arith.index_cast %add3A_163 : i32 to index
      %get3A_168 = arith.constant 32 : index
      %get3A_169 = tpu.vector_load %arg8[%get3A_167, %get3A_168] {strides = array<i32>} : memref<64x64xf32, #tpu.memory_space<vmem>>, vector<16xf32>,
      %add3A_170 = arith.addf %get3A_166, %get3A_169 : vector<16xf32>
      %swap3A_171 = arith.index_cast %add3A_163 : i32 to index
      %swap3A_172 = arith.constant 32 : index
      %swap3A_173 = tpu.vector_load %arg7[%swap3A_171, %swap3A_172] {strides = array<i32>} : memref<64x64xf32, #tpu.memory_space<vmem>>, vector<16xf32>,
      tpu.vector_store %arg7[%swap3A_171, %swap3A_172], %add3A_170 {strides = array<i32>} : memref<64x64xf32, #tpu.memory_space<vmem>>, vector<16xf32>,
      %mul3A_174 = arith.constant 4 : i32
      %mul3A_175 = arith.muli %scan3A_21, %mul3A_174 : i32
      %add3A_176 = arith.constant 2 : i32
      %add3A_177 = arith.addi %mul3A_175, %add3A_176 : i32
      %get3A_178 = arith.index_cast %add3A_177 : i32 to index
      %get3A_179 = arith.constant 48 : index
      %get3A_180 = tpu.vector_load %arg7[%get3A_178, %get3A_179] {strides = array<i32>} : memref<64x64xf32, #tpu.memory_space<vmem>>, vector<16xf32>,
      %get3A_181 = arith.index_cast %add3A_177 : i32 to index
      %get3A_182 = arith.constant 48 : index
      %get3A_183 = tpu.vector_load %arg8[%get3A_181, %get3A_182] {strides = array<i32>} : memref<64x64xf32, #tpu.memory_space<vmem>>, vector<16xf32>,
      %add3A_184 = arith.addf %get3A_180, %get3A_183 : vector<16xf32>
      %swap3A_185 = arith.index_cast %add3A_177 : i32 to index
      %swap3A_186 = arith.constant 48 : index
      %swap3A_187 = tpu.vector_load %arg7[%swap3A_185, %swap3A_186] {strides = array<i32>} : memref<64x64xf32, #tpu.memory_space<vmem>>, vector<16xf32>,
      tpu.vector_store %arg7[%swap3A_185, %swap3A_186], %add3A_184 {strides = array<i32>} : memref<64x64xf32, #tpu.memory_space<vmem>>, vector<16xf32>,
      %mul3A_188 = arith.constant 4 : i32
      %mul3A_189 = arith.muli %scan3A_21, %mul3A_188 : i32
      %add3A_190 = arith.constant 3 : i32
      %add3A_191 = arith.addi %mul3A_189, %add3A_190 : i32
      %get3A_192 = arith.index_cast %add3A_191 : i32 to index
      %get3A_193 = arith.constant 0 : index
      %get3A_194 = tpu.vector_load %arg7[%get3A_192, %get3A_193] {strides = array<i32>} : memref<64x64xf32, #tpu.memory_space<vmem>>, vector<16xf32>,
      %get3A_195 = arith.index_cast %add3A_191 : i32 to index
      %get3A_196 = arith.constant 0 : index
      %get3A_197 = tpu.vector_load %arg8[%get3A_195, %get3A_196] {strides = array<i32>} : memref<64x64xf32, #tpu.memory_space<vmem>>, vector<16xf32>,
      %add3A_198 = arith.addf %get3A_194, %get3A_197 : vector<16xf32>
      %swap3A_199 = arith.index_cast %add3A_191 : i32 to index
      %swap3A_200 = arith.constant 0 : index
      %swap3A_201 = tpu.vector_load %arg7[%swap3A_199, %swap3A_200] {strides = array<i32>} : memref<64x64xf32, #tpu.memory_space<vmem>>, vector<16xf32>,
      tpu.vector_store %arg7[%swap3A_199, %swap3A_200], %add3A_198 {strides = array<i32>} : memref<64x64xf32, #tpu.memory_space<vmem>>, vector<16xf32>,
      %mul3A_202 = arith.constant 4 : i32
      %mul3A_203 = arith.muli %scan3A_21, %mul3A_202 : i32
      %add3A_204 = arith.constant 3 : i32
      %add3A_205 = arith.addi %mul3A_203, %add3A_204 : i32
      %get3A_206 = arith.index_cast %add3A_205 : i32 to index
      %get3A_207 = arith.constant 16 : index
      %get3A_208 = tpu.vector_load %arg7[%get3A_206, %get3A_207] {strides = array<i32>} : memref<64x64xf32, #tpu.memory_space<vmem>>, vector<16xf32>,
      %get3A_209 = arith.index_cast %add3A_205 : i32 to index
      %get3A_210 = arith.constant 16 : index
      %get3A_211 = tpu.vector_load %arg8[%get3A_209, %get3A_210] {strides = array<i32>} : memref<64x64xf32, #tpu.memory_space<vmem>>, vector<16xf32>,
      %add3A_212 = arith.addf %get3A_208, %get3A_211 : vector<16xf32>
      %swap3A_213 = arith.index_cast %add3A_205 : i32 to index
      %swap3A_214 = arith.constant 16 : index
      %swap3A_215 = tpu.vector_load %arg7[%swap3A_213, %swap3A_214] {strides = array<i32>} : memref<64x64xf32, #tpu.memory_space<vmem>>, vector<16xf32>,
      tpu.vector_store %arg7[%swap3A_213, %swap3A_214], %add3A_212 {strides = array<i32>} : memref<64x64xf32, #tpu.memory_space<vmem>>, vector<16xf32>,
      %mul3A_216 = arith.constant 4 : i32
      %mul3A_217 = arith.muli %scan3A_21, %mul3A_216 : i32
      %add3A_218 = arith.constant 3 : i32
      %add3A_219 = arith.addi %mul3A_217, %add3A_218 : i32
      %get3A_220 = arith.index_cast %add3A_219 : i32 to index
      %get3A_221 = arith.constant 32 : index
      %get3A_222 = tpu.vector_load %arg7[%get3A_220, %get3A_221] {strides = array<i32>} : memref<64x64xf32, #tpu.memory_space<vmem>>, vector<16xf32>,
      %get3A_223 = arith.index_cast %add3A_219 : i32 to index
      %get3A_224 = arith.constant 32 : index
      %get3A_225 = tpu.vector_load %arg8[%get3A_223, %get3A_224] {strides = array<i32>} : memref<64x64xf32, #tpu.memory_space<vmem>>, vector<16xf32>,
      %add3A_226 = arith.addf %get3A_222, %get3A_225 : vector<16xf32>
      %swap3A_227 = arith.index_cast %add3A_219 : i32 to index
      %swap3A_228 = arith.constant 32 : index
      %swap3A_229 = tpu.vector_load %arg7[%swap3A_227, %swap3A_228] {strides = array<i32>} : memref<64x64xf32, #tpu.memory_space<vmem>>, vector<16xf32>,
      tpu.vector_store %arg7[%swap3A_227, %swap3A_228], %add3A_226 {strides = array<i32>} : memref<64x64xf32, #tpu.memory_space<vmem>>, vector<16xf32>,
      %mul3A_230 = arith.constant 4 : i32
      %mul3A_231 = arith.muli %scan3A_21, %mul3A_230 : i32
      %add3A_232 = arith.constant 3 : i32
      %add3A_233 = arith.addi %mul3A_231, %add3A_232 : i32
      %get3A_234 = arith.index_cast %add3A_233 : i32 to index
      %get3A_235 = arith.constant 48 : index
      %get3A_236 = tpu.vector_load %arg7[%get3A_234, %get3A_235] {strides = array<i32>} : memref<64x64xf32, #tpu.memory_space<vmem>>, vector<16xf32>,
      %get3A_237 = arith.index_cast %add3A_233 : i32 to index
      %get3A_238 = arith.constant 48 : index
      %get3A_239 = tpu.vector_load %arg8[%get3A_237, %get3A_238] {strides = array<i32>} : memref<64x64xf32, #tpu.memory_space<vmem>>, vector<16xf32>,
      %add3A_240 = arith.addf %get3A_236, %get3A_239 : vector<16xf32>
      %swap3A_241 = arith.index_cast %add3A_233 : i32 to index
      %swap3A_242 = arith.constant 48 : index
      %swap3A_243 = tpu.vector_load %arg7[%swap3A_241, %swap3A_242] {strides = array<i32>} : memref<64x64xf32, #tpu.memory_space<vmem>>, vector<16xf32>,
      tpu.vector_store %arg7[%swap3A_241, %swap3A_242], %add3A_240 {strides = array<i32>} : memref<64x64xf32, #tpu.memory_space<vmem>>, vector<16xf32>,
    }
    %scan3A_20 = arith.constant 16 : i32
    "tpu.region"() ({
      %run_scoped3A = tpu.sem_alloc : memref<!tpu.dma_semaphore, #tpu.memory_space<semaphore_mem>>
      %dma_start3A = arith.constant 0 : i32
      %dma_start3A_21 = arith.constant 0 : i32
      %dma_start3A_22 = tpu.memref_slice %arg4[%add3A, %dma_start3A, %dma_start3A_21] : memref<32x64x64xf32, #tpu.memory_space<hbm>> -> memref<1x64x64xf32, #tpu.memory_space<hbm>>
      %dma_start3A_23 = tpu.memref_squeeze %dma_start3A_22 : memref<1x64x64xf32, #tpu.memory_space<hbm>> -> memref<64x64xf32, #tpu.memory_space<hbm>>
      %dma_start3A_24 = arith.constant 0 : i32
      %dma_start3A_25 = arith.constant 0 : i32
      %dma_start3A_26 = tpu.memref_slice %arg4[%add3A, %dma_start3A_24, %dma_start3A_25] : memref<32x64x64xf32, #tpu.memory_space<hbm>> -> memref<1x64x64xf32, #tpu.memory_space<hbm>>
      %dma_start3A_27 = tpu.memref_squeeze %dma_start3A_26 : memref<1x64x64xf32, #tpu.memory_space<hbm>> -> memref<64x64xf32, #tpu.memory_space<hbm>>
      tpu.enqueue_dma source(%arg7 : memref<64x64xf32, #tpu.memory_space<vmem>>) target(%dma_start3A_27 : memref<64x64xf32, #tpu.memory_space<hbm>>) target_semaphore(%run_scoped3A : memref<!tpu.dma_semaphore, #tpu.memory_space<semaphore_mem>>)
      %dma_wait3A = arith.constant 0 : i32
      %dma_wait3A_28 = arith.constant 0 : i32
      %dma_wait3A_29 = tpu.memref_slice %arg4[%add3A, %dma_wait3A, %dma_wait3A_28] : memref<32x64x64xf32, #tpu.memory_space<hbm>> -> memref<1x64x64xf32, #tpu.memory_space<hbm>>
      %dma_wait3A_30 = tpu.memref_squeeze %dma_wait3A_29 : memref<1x64x64xf32, #tpu.memory_space<hbm>> -> memref<64x64xf32, #tpu.memory_space<hbm>>
      %dma_wait3A_31 = arith.constant 0 : i32
      %dma_wait3A_32 = arith.constant 0 : i32
      %dma_wait3A_33 = tpu.memref_slice %arg4[%add3A, %dma_wait3A_31, %dma_wait3A_32] : memref<32x64x64xf32, #tpu.memory_space<hbm>> -> memref<1x64x64xf32, #tpu.memory_space<hbm>>
      %dma_wait3A_34 = tpu.memref_squeeze %dma_wait3A_33 : memref<1x64x64xf32, #tpu.memory_space<hbm>> -> memref<64x64xf32, #tpu.memory_space<hbm>>
      tpu.wait_dma2 semaphore(%run_scoped3A : memref<!tpu.dma_semaphore, #tpu.memory_space<semaphore_mem>>) src(%arg7 : memref<64x64xf32, #tpu.memory_space<vmem>>) dst(%dma_wait3A_34 : memref<64x64xf32, #tpu.memory_space<hbm>>)
      tpu.yield
    }) : () -> ()
    return
  }
}

module attributes {stable_mosaic.version = 14 : i64} {
  func.func @_tc_body(%arg0: i32, %arg1: memref<32x64x64xf32, #tpu.memory_space<vmem>>, %arg2: memref<16x32768xf32, #tpu.memory_space<vmem>>, %arg3: memref<16x32768xf32, #tpu.memory_space<vmem>>, %arg4: memref<1x1xf32, #tpu.memory_space<smem>>, %arg5: memref<4xf32, #tpu.memory_space<smem>>) attributes {dimension_semantics = [#tpu.dimension_semantics<arbitrary>], iteration_bounds = array<i64: 8>, scalar_prefetch = 0 : i64, scratch_operands = 1 : i64, tpu.core_type = #tpu.core_type<tc>, window_params = [{pipeline_mode = #tpu.pipeline_mode<synchronous>, transform_indices = @transform_0, window_bounds = array<i64: 32, 64, 64>}, {transform_indices = @transform_1, window_bounds = array<i64: 16, 32768>}, {transform_indices = @transform_2, window_bounds = array<i64: 16, 32768>}, {transform_indices = @transform_3, window_bounds = array<i64: 1, 1>}]} {
    %eq3A = arith.constant 0 : i32
    %eq3A_0 = arith.cmpi eq, %arg0, %eq3A : i32
    %convert_element_type3A = arith.extui %eq3A_0 : i1 to i32
    %cond3A = arith.constant 0 : i32
    %cond3A_1 = arith.cmpi ne, %convert_element_type3A, %cond3A : i32
    scf.if %cond3A_1 {
      %get3A_31 = arith.constant 0 : index
      %get3A_32 = arith.constant 0 : index
      %get3A_33 = arith.constant 0 : index
      %get3A_34 = vector.load %arg1[%get3A_31, %get3A_32, %get3A_33] : memref<32x64x64xf32, #tpu.memory_space<vmem>>, vector<32x64x64xf32>
      %reduce_sum3A_35 = arith.constant dense<0.000000e+00> : vector<64x64xf32>
      %reduce_sum3A_36 = vector.multi_reduction <add>, %get3A_34, %reduce_sum3A_35 [0] : vector<32x64x64xf32> to vector<64x64xf32>
      %iota3A = tpu.iota {dimensions = array<i32: 0>} : vector<64x64xi32>
      %iota3A_37 = tpu.iota {dimensions = array<i32: 1>} : vector<64x64xi32>
      %lt3A = arith.cmpi slt, %iota3A, %iota3A_37 : vector<64x64xi32>
      %convert_element_type3A_38 = arith.extui %lt3A : vector<64x64xi1> to vector<64x64xi32>
      %convert_element_type3A_39 = arith.sitofp %convert_element_type3A_38 : vector<64x64xi32> to vector<64x64xf32>
      %gt3A = arith.cmpi sgt, %iota3A, %iota3A_37 : vector<64x64xi32>
      %convert_element_type3A_40 = arith.extui %gt3A : vector<64x64xi1> to vector<64x64xi32>
      %convert_element_type3A_41 = arith.sitofp %convert_element_type3A_40 : vector<64x64xi32> to vector<64x64xf32>
      %dot_general3A = arith.constant dense<0.000000e+00> : vector<64x64xf32>
      %dot_general3A_42 = tpu.matmul %reduce_sum3A_36, %convert_element_type3A_39, %dot_general3A {dimension_numbers = #tpu.dot_dimension_numbers<[1], [0], [0], [1], [0, 0, 1, 1], [], []>, precision = #tpu.contract_precision<fp32>, transpose_lhs_hint = false} : vector<64x64xf32>, vector<64x64xf32>, vector<64x64xf32> -> vector<64x64xf32>
      %reduce_sum3A_43 = arith.constant dense<0.000000e+00> : vector<64xf32>
      %reduce_sum3A_44 = vector.multi_reduction <add>, %reduce_sum3A_36, %reduce_sum3A_43 [1] : vector<64x64xf32> to vector<64xf32>
      %broadcast_in_dim3A = vector.shape_cast %reduce_sum3A_44 : vector<64xf32> to vector<64x1xf32>
      %dot_general3A_45 = arith.constant dense<0.000000e+00> : vector<64x1xf32>
      %dot_general3A_46 = tpu.matmul %convert_element_type3A_41, %broadcast_in_dim3A, %dot_general3A_45 {dimension_numbers = #tpu.dot_dimension_numbers<[1], [0], [0], [1], [0, 0, 1, 1], [], []>, precision = #tpu.contract_precision<fp32>, transpose_lhs_hint = false} : vector<64x64xf32>, vector<64x1xf32>, vector<64x1xf32> -> vector<64x1xf32>
      %add3A_47 = vector.broadcast %dot_general3A_46 : vector<64x1xf32> to vector<64x64xf32>
      %add3A_48 = arith.addf %dot_general3A_42, %add3A_47 : vector<64x64xf32>
      %reduce_sum3A_49 = vector.shape_cast %reduce_sum3A_36 : vector<64x64xf32> to vector<1x64x64xf32>
      %reduce_sum3A_50 = arith.constant dense<0.000000e+00> : vector<1xf32>
      %reduce_sum3A_51 = vector.multi_reduction <add>, %reduce_sum3A_49, %reduce_sum3A_50 [1, 2] : vector<1x64x64xf32> to vector<1xf32>
      %reduce_sum3A_52 = vector.shape_cast %reduce_sum3A_51 : vector<1xf32> to vector<1x1x1xf32>
      %reduce_sum3A_53 = vector.extract %reduce_sum3A_52[0, 0, 0] : f32 from vector<1x1x1xf32>
      %sub3A_54 = vector.broadcast %reduce_sum3A_53 : f32 to vector<64x64xf32>
      %sub3A_55 = arith.subf %sub3A_54, %add3A_48 : vector<64x64xf32>
      %mul3A_56 = arith.constant 64 : i32
      %mul3A_57 = vector.broadcast %mul3A_56 : i32 to vector<64x64xi32>
      %mul3A_58 = arith.muli %iota3A, %mul3A_57 : vector<64x64xi32>
      %add3A_59 = arith.addi %mul3A_58, %iota3A_37 : vector<64x64xi32>
      %shift_left3A = arith.constant 19 : i32
      %shift_left3A_60 = vector.broadcast %shift_left3A : i32 to vector<64x64xi32>
      %shift_left3A_61 = arith.shli %add3A_59, %shift_left3A_60 : vector<64x64xi32>
      %bitcast_convert_type3A = tpu.bitcast %shift_left3A_61 : vector<64x64xi32> -> vector<64x64xf32>
      %ge3A = arith.constant 3.276800e+04 : f32
      %ge3A_62 = vector.broadcast %ge3A : f32 to vector<64x64xf32>
      %ge3A_63 = arith.cmpf oge, %sub3A_55, %ge3A_62 : vector<64x64xf32>
      %jit3A = arith.constant -1.000000e+00 : f32
      %broadcast_in_dim3A_64 = vector.broadcast %jit3A : f32 to vector<64x64xf32>
      %select_n3A = arith.select %ge3A_63, %bitcast_convert_type3A, %broadcast_in_dim3A_64 : vector<64x64xi1>, vector<64x64xf32>
      %reduce_max3A = vector.shape_cast %select_n3A : vector<64x64xf32> to vector<1x64x64xf32>
      %reduce_max3A_65 = arith.constant dense<0xFF800000> : vector<1xf32>
      %reduce_max3A_66 = vector.multi_reduction <maximumf>, %reduce_max3A, %reduce_max3A_65 [1, 2] : vector<1x64x64xf32> to vector<1xf32>
      %reduce_max3A_67 = vector.shape_cast %reduce_max3A_66 : vector<1xf32> to vector<1x1x1xf32>
      %reduce_max3A_68 = vector.extract %reduce_max3A_67[0, 0, 0] : f32 from vector<1x1x1xf32>
      %swap3A_69 = arith.constant 0 : index
      %swap3A_70 = memref.load %arg5[%swap3A_69] : memref<4xf32, #tpu.memory_space<smem>>
      memref.store %reduce_max3A_68, %arg5[%swap3A_69] : memref<4xf32, #tpu.memory_space<smem>>
      %swap3A_71 = arith.constant 0.000000e+00 : f32
      %swap3A_72 = arith.constant 1 : index
      %swap3A_73 = memref.load %arg5[%swap3A_72] : memref<4xf32, #tpu.memory_space<smem>>
      memref.store %swap3A_71, %arg5[%swap3A_72] : memref<4xf32, #tpu.memory_space<smem>>
      %swap3A_74 = arith.constant 0.000000e+00 : f32
      %swap3A_75 = arith.constant 2 : index
      %swap3A_76 = memref.load %arg5[%swap3A_75] : memref<4xf32, #tpu.memory_space<smem>>
      memref.store %swap3A_74, %arg5[%swap3A_75] : memref<4xf32, #tpu.memory_space<smem>>
    } else {
    }
    %get3A = arith.constant 0 : index
    %get3A_2 = memref.load %arg5[%get3A] : memref<4xf32, #tpu.memory_space<smem>>
    %get3A_3 = arith.constant 0 : index
    %get3A_4 = arith.constant 0 : index
    %get3A_5 = vector.load %arg2[%get3A_3, %get3A_4] : memref<16x32768xf32, #tpu.memory_space<vmem>>, vector<16x32768xf32>
    %get3A_6 = arith.constant 0 : index
    %get3A_7 = arith.constant 0 : index
    %get3A_8 = vector.load %arg3[%get3A_6, %get3A_7] : memref<16x32768xf32, #tpu.memory_space<vmem>>, vector<16x32768xf32>
    %abs3A = math.absf %get3A_5 : vector<16x32768xf32>
    %max3A = arith.constant 0.000000e+00 : f32
    %max3A_9 = vector.broadcast %max3A : f32 to vector<16x32768xf32>
    %max3A_10 = arith.maximumf %get3A_5, %max3A_9 : vector<16x32768xf32>
    %mul3A = arith.mulf %get3A_5, %get3A_8 : vector<16x32768xf32>
    %sub3A = arith.subf %max3A_10, %mul3A : vector<16x32768xf32>
    %neg3A = arith.constant 0.000000e+00 : f32
    %neg3A_11 = vector.broadcast %neg3A : f32 to vector<16x32768xf32>
    %neg3A_12 = arith.subf %neg3A_11, %abs3A : vector<16x32768xf32>
    %exp3A = math.exp %neg3A_12 : vector<16x32768xf32>
    %log1p3A = math.log1p %exp3A : vector<16x32768xf32>
    %add3A = arith.addf %sub3A, %log1p3A : vector<16x32768xf32>
    %get3A_13 = arith.constant 2 : index
    %get3A_14 = memref.load %arg5[%get3A_13] : memref<4xf32, #tpu.memory_space<smem>>
    %sub3A_15 = vector.broadcast %get3A_2 : f32 to vector<16x32768xf32>
    %sub3A_16 = arith.subf %add3A, %sub3A_15 : vector<16x32768xf32>
    %max3A_17 = arith.constant 0.000000e+00 : f32
    %max3A_18 = vector.broadcast %max3A_17 : f32 to vector<16x32768xf32>
    %max3A_19 = arith.maximumf %sub3A_16, %max3A_18 : vector<16x32768xf32>
    %reduce_sum3A = vector.shape_cast %max3A_19 : vector<16x32768xf32> to vector<1x16x32768xf32>
    %reduce_sum3A_20 = arith.constant dense<0.000000e+00> : vector<1xf32>
    %reduce_sum3A_21 = vector.multi_reduction <add>, %reduce_sum3A, %reduce_sum3A_20 [1, 2] : vector<1x16x32768xf32> to vector<1xf32>
    %reduce_sum3A_22 = vector.shape_cast %reduce_sum3A_21 : vector<1xf32> to vector<1x1x1xf32>
    %reduce_sum3A_23 = vector.extract %reduce_sum3A_22[0, 0, 0] : f32 from vector<1x1x1xf32>
    %add3A_24 = arith.addf %get3A_14, %reduce_sum3A_23 : f32
    %swap3A = arith.constant 2 : index
    %swap3A_25 = memref.load %arg5[%swap3A] : memref<4xf32, #tpu.memory_space<smem>>
    memref.store %add3A_24, %arg5[%swap3A] : memref<4xf32, #tpu.memory_space<smem>>
    %eq3A_26 = arith.constant 7 : i32
    %eq3A_27 = arith.cmpi eq, %arg0, %eq3A_26 : i32
    %convert_element_type3A_28 = arith.extui %eq3A_27 : i1 to i32
    %cond3A_29 = arith.constant 0 : i32
    %cond3A_30 = arith.cmpi ne, %convert_element_type3A_28, %cond3A_29 : i32
    scf.if %cond3A_30 {
      %get3A_31 = arith.constant 0 : index
      %get3A_32 = memref.load %arg5[%get3A_31] : memref<4xf32, #tpu.memory_space<smem>>
      %get3A_33 = arith.constant 2 : index
      %get3A_34 = memref.load %arg5[%get3A_33] : memref<4xf32, #tpu.memory_space<smem>>
      %div3A = arith.constant 0x4A000000 : f32
      %div3A_35 = arith.divf %get3A_34, %div3A : f32
      %add3A_36 = arith.addf %get3A_32, %div3A_35 : f32
      %swap3A_37 = arith.constant 0 : index
      %swap3A_38 = arith.constant 0 : index
      %swap3A_39 = memref.load %arg4[%swap3A_37, %swap3A_38] : memref<1x1xf32, #tpu.memory_space<smem>>
      memref.store %add3A_36, %arg4[%swap3A_37, %swap3A_38] : memref<1x1xf32, #tpu.memory_space<smem>>
    } else {
    }
    return
  }
  func.func @transform_0(%arg0: i32) -> (i32, i32, i32) {
    %c0_i32 = arith.constant 0 : i32
    %c0_i32_0 = arith.constant 0 : i32
    %c0_i32_1 = arith.constant 0 : i32
    %c0_i32_2 = arith.constant 0 : i32
    return %c0_i32, %c0_i32_0, %c0_i32_1 : i32, i32, i32
  }
  func.func @transform_1(%arg0: i32) -> (i32, i32) {
    %c0_i32 = arith.constant 0 : i32
    %c0_i32_0 = arith.constant 0 : i32
    return %arg0, %c0_i32 : i32, i32
  }
  func.func @transform_2(%arg0: i32) -> (i32, i32) {
    %c0_i32 = arith.constant 0 : i32
    %c0_i32_0 = arith.constant 0 : i32
    return %arg0, %c0_i32 : i32, i32
  }
  func.func @transform_3(%arg0: i32) -> (i32, i32) {
    %c0_i32 = arith.constant 0 : i32
    %c0_i32_0 = arith.constant 0 : i32
    %c0_i32_1 = arith.constant 0 : i32
    return %c0_i32, %c0_i32_0 : i32, i32
  }
}

</mosaic_0001>

<sc_bundles>
// kernel: kernel.4.cloned.1.call-start
scs
__scs_entry_jumppad:
0x0: {  	(pc) =	sbr.rel $0x88, $3  }
0x1: {  	(tag) =	ssettag $0x0;
	lr =	simm.s32 $0x1  }
0x2: {  	[smem:$0x3F9F] =	sst lr;
	_ =	strace $0xD0000000  }
0x3: {  	_ = 	snop  }
0x4: {  	_ = 	snop  }
0x5: {  	_ = 	snop  }
0x6: {  	_ = 	snop  }
0x7: {  	_ = 	snop  }
__scs_overlays_trampoline_lowered:
0x8: {  	[smem:$0x3FAE] =	sst s0  }
0x9: {  	[smem:$0x3FAF] =	sst s1  }
0xa: {  	[smem:$0x3FB0] =	sst s2  }
0xb: {  	[smem:$0x3FB1] =	sst s3  }
0xc: {  	[smem:$0x3FB2] =	sst s4  }
0xd: {  	[smem:$0x3FB3] =	sst s5  }
0xe: {  	[smem:$0x3FB4] =	sst s6  }
0xf: {  	[smem:$0x3FB5] =	sst s7  }
0x10: {  	[smem:$0x3FB6] =	sst s8  }
0x11: {  	[smem:$0x3FB7] =	sst s9;
	s0 =	simm.s32 @!p0 $0x0  }
0x12: {  	s1 =	sld [smem:$0x3F9D];
	s0 =	simm.s32 @p0 $0x1  }
0x13: {  	[smem:$0x3FB8] =	sst s0;
	s0 =	simm.s32 @!p1 $0x0  }
0x14: {  	s2 =	sld [smem:$0x3F9C];
	s0 =	simm.s32 @p1 $0x1  }
0x15: {  	[smem:$0x3FB9] =	sst s0;
	s0 =	simm.s32 @!p2 $0x0  }
0x16: {  	s3 =	sld [smem:$0x3FDB];
	s0 =	simm.s32 @p2 $0x1  }
0x17: {  	s4 =	simm.s32 $0x1BF5;
	[smem:$0x3FBB] =	sst s0  }
0x18: {  	s0 =	sld [smem:$0x3F9E];
	_ =	swait.ge [sflag:s4], $0x0  }
0x19: {  	s7 =	sld [smem:$0x3F9F]  }
0x1a: {  	s8 =	sadd.s32 $0xFFFFE003, lr  }
0x1b: {  	s9 =	sadd.s32 $0xFFFFFEF7, lr;
	s5 =	simm.s32 $0xFFFFFFFF;
	p2 =	slt.u32 s8, $0xFFFFF086  }
0x1c: {  	p1 =	slt.u32 s9, $0xF7A;
	s5 =	simm.s32 @!p2 $0x0  }
0x1d: {  	s5 =	simm.s32 @p1 $0x1;
	p0 =	seq.s32 s7, s2  }
0x1e: {  	s7 =	smul.u32 @!p0 $0xF7A, s2;
	p2 =	seq.s32 @!p0 s5, $0x0  }
0x1f: {  	s9 =	smul.u32 $0xF7A, s1;
	s8 =	simm.s32 @!p0 $0x1BF5;
	p2 =	por !p2, p0  }
0x20: {  	[sflag:s8] =	ssyncset.s32 @!p0 $0xFFFFF086;
	s6 =	sadd.s32 @!p0 s3, s7;
	s7 =	simm.s32 @!p0 $0x108  }
0x21: {  	s3 =	sadd.s32 s3, s9;
	s6 =	sadd.s32 @!p0 $0x88, s6;
	s7 =	simm.s32 @p2 $0x1082  }
0x22: {  	[simem:s7], [sflag:s8] =	dma.local @!p0 [hbm:s6], $0xF7A  }
0x23: {  	s9 =	sor.u32 $0xD0000000, s2;
	s6 =	simm.s32 $0x108;
	_ =	swait.ge @!p0 [sflag:s8], $0x0  }
0x24: {  	s3 =	sadd.s32 $0x88, s3;
	s6 =	simm.s32 @!p1 $0x1082;
	[sflag:s4] =	ssyncset.s32 $0xFFFFF086  }
0x25: {  	[simem:s6], [sflag:s4] =	dma.local [hbm:s3], $0xF7A  }
0x26: {  	[smem:$0x3F9F] =	sst s1;
	(tag) =	ssettag s2;
	_ =	strace s9  }
0x27: {  	s1 =	sld [smem:$0x3FAF]  }
0x28: {  	s2 =	sld [smem:$0x3FB0]  }
0x29: {  	s4 =	sld [smem:$0x3FB2]  }
0x2a: {  	p0 =	seq.s32 s5, $0x0;
	s5 =	sld [smem:$0x3FB3]  }
0x2b: {  	s6 =	sld [smem:$0x3FB4]  }
0x2c: {  	s7 =	sld [smem:$0x3FB5]  }
0x2d: {  	s3 =	simm.s32 $0x108;
	s8 =	sld [smem:$0x3FB6]  }
0x2e: {  	s3 =	simm.s32 @!p0 $0x1082;
	s9 =	sld [smem:$0x3FB7]  }
0x2f: {  	lr =	sadd.s32 s0, s3;
	s0 =	sld [smem:$0x3FAE]  }
0x30: {  	s3 =	sld [smem:$0x3FB1]  }
0x31: {  	[smem:$0x3FBA] =	sst s10  }
0x32: {  	s10 =	sld [smem:$0x3FB8];
	_ =	sdelay $0x3  }
0x33: {  	p0 =	seq.s32 s10, $0x1;
	s10 =	sld [smem:$0x3FBA];
	_ =	sdelay $0x3  }
0x34: {  	[smem:$0x3FBA] =	sst s10  }
0x35: {  	s10 =	sld [smem:$0x3FB9];
	_ =	sdelay $0x3  }
0x36: {  	p1 =	seq.s32 s10, $0x1;
	s10 =	sld [smem:$0x3FBA];
	_ =	sdelay $0x3  }
0x37: {  	[smem:$0x3FBA] =	sst s10  }
0x38: {  	s10 =	sld [smem:$0x3FBB]  }
0x39: {  	_ = 	snop;
	(pc) =	sbr.ind lr, $3  }
0x3a: {  	_ = 	snop  }
0x3b: {  	_ = 	snop  }
0x3c: {  	p2 =	seq.s32 s10, $0x1;
	s10 =	sld [smem:$0x3FBA]  }
0x3d: {  	_ =	shalt  }
0x3e: {  	_ =	shalt  }
0x3f: {  	_ =	shalt  }
0x40: {  	_ =	shalt  }
0x41: {  	_ =	shalt  }
0x42: {  	_ =	shalt  }
0x43: {  	_ =	shalt  }
0x44: {  	_ =	shalt  }
0x45: {  	_ =	shalt  }
0x46: {  	_ =	shalt  }
0x47: {  	_ =	shalt  }
0x48: {  	_ =	shalt  }
0x49: {  	_ =	shalt  }
0x4a: {  	_ =	shalt  }
0x4b: {  	_ =	shalt  }
0x4c: {  	_ =	shalt  }
0x4d: {  	_ =	shalt  }
0x4e: {  	_ =	shalt  }
0x4f: {  	_ =	shalt  }
0x50: {  	_ =	shalt  }
0x51: {  	_ =	shalt  }
0x52: {  	_ =	shalt  }
0x53: {  	_ =	shalt  }
0x54: {  	_ =	shalt  }
0x55: {  	_ =	shalt  }
0x56: {  	_ =	shalt  }
0x57: {  	_ =	shalt  }
0x58: {  	_ =	shalt  }
0x59: {  	_ =	shalt  }
0x5a: {  	_ =	shalt  }
0x5b: {  	_ =	shalt  }
0x5c: {  	_ =	shalt  }
0x5d: {  	_ =	shalt  }
0x5e: {  	_ =	shalt  }
0x5f: {  	_ =	shalt  }
0x60: {  	_ =	shalt  }
0x61: {  	_ =	shalt  }
0x62: {  	_ =	shalt  }
0x63: {  	_ =	shalt  }
0x64: {  	_ =	shalt  }
0x65: {  	_ =	shalt  }
0x66: {  	_ =	shalt  }
0x67: {  	_ =	shalt  }
0x68: {  	_ =	shalt  }
0x69: {  	_ =	shalt  }
0x6a: {  	_ =	shalt  }
0x6b: {  	_ =	shalt  }
0x6c: {  	_ =	shalt  }
0x6d: {  	_ =	shalt  }
0x6e: {  	_ =	shalt  }
0x6f: {  	_ =	shalt  }
0x70: {  	_ =	shalt  }
0x71: {  	_ =	shalt  }
0x72: {  	_ =	shalt  }
0x73: {  	_ =	shalt  }
0x74: {  	_ =	shalt  }
0x75: {  	_ =	shalt  }
0x76: {  	_ =	shalt  }
0x77: {  	_ =	shalt  }
0x78: {  	_ =	shalt  }
0x79: {  	_ =	shalt  }
0x7a: {  	_ =	shalt  }
0x7b: {  	_ =	shalt  }
0x7c: {  	_ =	shalt  }
0x7d: {  	_ =	shalt  }
0x7e: {  	_ =	shalt  }
0x7f: {  	_ =	shalt  }
0x80: {  	_ =	shalt  }
0x81: {  	_ =	shalt  }
0x82: {  	_ =	shalt  }
0x83: {  	_ =	shalt  }
0x84: {  	_ =	shalt  }
0x85: {  	_ =	shalt  }
0x86: {  	_ =	shalt  }
0x87: {  	_ =	shalt  }
.Lfunc_end0:
.L_simem_size_0:
called_computation_lowered:
.L_overlay_start_0:
0x88: {  	s2 =	sld [smem:$0x3FD9]  }
0x89: {  	s3 =	sld [smem:$0x3FFE];
	_ =	sdelay $0x1  }
0x8a: {  	s1 =	srdreg.scid  }
0x8b: {  	s0 =	sand.u32 $0x1, s1  }
0x8c: {  	s17 =	sshll.u32 s0, $0xA;
	s2 =	sadd.s32 s3, s2  }
0x8d: {  	s2 =	sadd.s32 s2, s17  }
0x8e: {  	[smem:$0x3FC6] =	sst s2  }
0x8f: {  	_ = 	snop  }
0x90: {  	s2 =	sld [smem:$0x3FC9]  }
0x91: {  	s18 =	sld [smem:$0x3FC8];
	(tm) =	ssettm $0x1  }
0x92: {  	s4 =	sld [smem:$0x3FFB];
	_ =	sdelay $0x3  }
0x93: {  	_ =	strace s4  }
0x94: {  	s4 =	sld [smem:$0x3FFC];
	_ =	sdelay $0x3  }
0x95: {  	_ =	strace s4  }
0x96: {  	s4 =	sld [smem:$0x3FFD];
	_ =	sdelay $0x3  }
0x97: {  	_ =	strace s4  }
0x98: {  	_ =	strace $0x8FFFFFFF  }
0x99: {  	s19 =	sld [smem:$0x3FDB];
	_ =	sdelay $0x1  }
0x9a: {  	s5 =	simm.s32 $_scs_section_size  }
0x9b: {  	s6 =	simm.s32 $_size__tile_overlayer_lowered;
	s7 =	simm.s32 $_tile_overlayer_lowered  }
0x9c: {  	s22 =	simm.s32 $0x1BFF;
	s21 =	sshll.u32 s7, $0x1;
	s4 =	sadd.s32 s5, s19  }
0x9d: {  	s8 =	simm.s32 $0x0;
	s20 =	sshll.u32 s6, $0x1;
	s6 =	sadd.s32 s21, s4  }
0x9e: {  	[timem:s8], [sflag:s22] =	dma.local [hbm:s6], s20  }
0x9f: {  	_ =	swait.ge [sflag:s22], s20  }
0xa0: {  	s5 =	ssub.s32 $0x0, s20;
	[sflag:s22] =	ssyncset.done $0x0  }
0xa1: {  	[sflag:s22] =	ssyncadd.s32 s5;
	_ =	sdelay $0x1  }
0xa2: {  	s23 =	simm.s32 $0x1B8B  }
0xa3: {  	_ =	swait.ge [sflag:s23], $0x1  }
0xa4: {  	[sflag:s23] =	ssyncset.done $0x0  }
0xa5: {  	s25 =	simm.s32 $0x1B8E;
	s24 =	sld [smem:$0x3FFE];
	[sflag:s23] =	ssyncadd.s32 $0xFFFFFFFF  }
0xa6: {  	s26 =	simm.s32 $execute0_lowered;
	[smem:$0x3FD2] =	sst s25  }
0xa7: {  	s6 =	sshll.u32 s26, $0x1;
	_ =	strace $0x80000046;
	[dreg:$0x1] =	wrdreg $0xFFFFFFFF  }
0xa8: {  	s28 =	simm.s32 $_size_execute0_lowered;
	s4 =	sadd.s32 s4, s6;
	[dreg:$0x0] =	wrdreg $0x0  }
0xa9: {  	s6 =	sshll.u32 s28, $0x1;
	[dreg:$0x2] =	wrdreg s4  }
0xaa: {  	[dreg:$0x3] =	wrdreg s6  }
0xab: {  	[dreg:$0x4] =	wrdreg $0xC0  }
0xac: {  	_ =	task [dreg:s8], $0x5FFFF  }
0xad: {  	[dreg:$0x1] =	wrdreg $0xFFFFFFFF  }
0xae: {  	[dreg:$0x0] =	wrdreg $0x60  }
0xaf: {  	[dreg:$0x2] =	wrdreg s2  }
0xb0: {  	[dreg:$0x3] =	wrdreg s18  }
0xb1: {  	[dreg:$0x4] =	wrdreg s24  }
0xb2: {  	[dreg:$0x5] =	wrdreg $0x9  }
0xb3: {  	_ =	task.clear_ibuf [dreg:s8], $0x6FFFF;
	_ =	strace $0x90000046  }
0xb4: {  	s29 =	simm.s32 $0x9;
	_ =	strace $0x80000048  }
0xb5: {  	_ =	swait.ge [sflag:s29], $0x1  }
0xb6: {  	[sflag:s29] =	ssyncadd.s32 $0xFFFFFFFF  }
0xb7: {  	_ =	strace $0x90000048  }
0xb8: {  	_ =	sfence  }
0xb9: {  	s30 =	sld [smem:$0x0];
	_ =	sdelay $0x2  }
0xba: {  	s31 =	sshll.u32 s1, $0xD;
	s1 =	sshrl.u32 s1, $0x2  }
0xbb: {  	s3 =	sand.u32 $0x4000, s31;
	s1 =	sadd.s32 s1, s30  }
0xbc: {  	s0 =	sor.u32 s3, s0;
	s1 =	sshll.u32 s1, $0x11  }
0xbd: {  	s0 =	sor.u32 s1, s0  }
0xbe: {  	s0 =	sadd.s32 $0x8F2B, s0  }
0xbf: {  	[sflag:s0] =	ssyncadd.remote.s32 $0x1  }
0xc0: {  	_ =	sfence.sel $0xFFFF  }
0xc1: {  	[dreg:$0x0] =	wrdreg $0xFFFFFFFF;
	(pc) =	sbr.abs _section_cstart, $3  }
0xc2: {  	[dreg:$0x1] =	wrdreg $0xFFFFFFFF  }
0xc3: {  	_ =	task.clear_ibuf [dreg:s8], $0x2FFFF;
	_ =	strace $0x9FFFFFFF  }
0xc4: {  	(tm) =	ssettm $0x7FFFFFFF  }
0xc5: {  	_ =	shalt  }
tec
execute0_lowered:
.L_overlay_start_1:
0x0: {  	(tag) =	ssettag $0x1  }
0x1: {  	s3 =	rddreg [dreg:$0x0]  }
0x2: {  	s4 =	rddreg [dreg:$0x1]  }
0x3: {  	s5 =	rddreg [dreg:$0x2]  }
0x4: {  	s0 =	rddreg [dreg:$0x3];
	s6 =	srdreg.scid  }
0x5: {  	s1 =	stileid.u32;
	s2 =	simm.s32 $0x0;
	s10 =	simm.s32 $0x800  }
0x6: {  	s11 =	simm.s32 $0x1000;
	s12 =	simm.s32 $0x3000;
	s13 =	simm.s32 $0x0  }
0x7: {  	s6 =	sand.u32 $0x1, s6;
	s7 =	sshll.u32 s1, $0x1;
	[smem:$0x7FF] =	sst s2  }
0x8: {  	s8 =	sshll.u32 s1, $0xD;
	s7 =	sor.u32 s6, s7;
	_ =	strace $0x80000047  }
0x9: {  	s6 =	ssub.s32 $0x2, s6;
	s9 =	sshll.u32 s7, $0x4;
	s7 =	sshll.u32 s7, $0xA  }
0xa: {  	s31 =	sshrl.u32 s6, $0x1;
	s8 =	sor.u32 s8, s9;
	s5 =	sadd.s32 s7, s5  }
0xb: {  	s6 =	ssub.s32 s6, s31;
	s7 =	simm.s32 $0x80;
	s9 =	simm.s32 $0x1  }
0xc: {  	s8 =	sand.u32 $0x18070, s8;
	s5 =	sadd.s32 $0x800, s5;
	s6 =	smax.u32 s6, $0x1  }
0xd: {  	v0 =	vimm.f32 $0.0e+00;
	v1 =	vimm.f32 $1.000000000e+00;
	s3 =	sadd.s32 s3, s8;
	s4 =	sadd.s32 s4, s8;
	s8 =	simm.s32 $0x400  }
.LBB2_1:
0xe: {  	s14 =	simm.s32 $0x0;
	s15 =	simm.s32 $0x800  }
.LBB2_2:
0xf: {  	p0 =	sne.s32 s15, $0x7800;
	[tilespmem:s14+$0x31B0] =	vst v0  }
0x10: {  	[tilespmem:s14+$0x1000] =	vst v0  }
0x11: {  	[tilespmem:s14+$0x3000] =	vst v0  }
0x12: {  	[tilespmem:s14+$0x1010] =	vst v0  }
0x13: {  	[tilespmem:s14+$0x3010] =	vst v0  }
0x14: {  	[tilespmem:s14+$0x1020] =	vst v0  }
0x15: {  	[tilespmem:s14+$0x3020] =	vst v0  }
0x16: {  	[tilespmem:s14+$0x1030] =	vst v0  }
0x17: {  	[tilespmem:s14+$0x3030] =	vst v0  }
0x18: {  	[tilespmem:s14+$0x1080] =	vst v0  }
0x19: {  	[tilespmem:s14+$0x3080] =	vst v0  }
0x1a: {  	[tilespmem:s14+$0x1090] =	vst v0  }
0x1b: {  	[tilespmem:s14+$0x3090] =	vst v0  }
0x1c: {  	[tilespmem:s14+$0x10A0] =	vst v0  }
0x1d: {  	[tilespmem:s14+$0x30A0] =	vst v0  }
0x1e: {  	[tilespmem:s14+$0x10B0] =	vst v0  }
0x1f: {  	[tilespmem:s14+$0x30B0] =	vst v0  }
0x20: {  	[tilespmem:s14+$0x1100] =	vst v0  }
0x21: {  	[tilespmem:s14+$0x3100] =	vst v0  }
0x22: {  	[tilespmem:s14+$0x1110] =	vst v0  }
0x23: {  	[tilespmem:s14+$0x3110] =	vst v0  }
0x24: {  	[tilespmem:s14+$0x1120] =	vst v0  }
0x25: {  	[tilespmem:s14+$0x3120] =	vst v0  }
0x26: {  	[tilespmem:s14+$0x1130] =	vst v0  }
0x27: {  	[tilespmem:s14+$0x3130] =	vst v0  }
0x28: {  	[tilespmem:s14+$0x1180] =	vst v0  }
0x29: {  	[tilespmem:s14+$0x3180] =	vst v0  }
.Ltmp0:
0x2a: {  	[tilespmem:s14+$0x1190] =	vst v0;
	(pc) =	sbr.rel @p0 .LBB2_2-.Ltmp0, $4  }
0x2b: {  	[tilespmem:s14+$0x3190] =	vst v0  }
0x2c: {  	[tilespmem:s14+$0x11A0] =	vst v0  }
0x2d: {  	[tilespmem:s14+$0x31A0] =	vst v0  }
0x2e: {  	[tilespmem:s14+$0x11B0] =	vst v0;
	s14 =	sshra.s32 s15, $0x2;
	s15 =	sadd.s32 $0x800, s15  }
0x2f: {  	[tilespmem:s14+$0x31B0] =	vst v0  }
0x30: {  	[tilespmem:s14+$0x1000] =	vst v0  }
0x31: {  	[tilespmem:s14+$0x3000] =	vst v0  }
0x32: {  	[tilespmem:s14+$0x1010] =	vst v0  }
0x33: {  	[tilespmem:s14+$0x3010] =	vst v0  }
0x34: {  	[tilespmem:s14+$0x1020] =	vst v0  }
0x35: {  	[tilespmem:s14+$0x3020] =	vst v0  }
0x36: {  	[tilespmem:s14+$0x1030] =	vst v0  }
0x37: {  	[tilespmem:s14+$0x3030] =	vst v0  }
0x38: {  	[tilespmem:s14+$0x1080] =	vst v0  }
0x39: {  	[tilespmem:s14+$0x3080] =	vst v0  }
0x3a: {  	[tilespmem:s14+$0x1090] =	vst v0  }
0x3b: {  	[tilespmem:s14+$0x3090] =	vst v0  }
0x3c: {  	[tilespmem:s14+$0x10A0] =	vst v0  }
0x3d: {  	[tilespmem:s14+$0x30A0] =	vst v0  }
0x3e: {  	[tilespmem:s14+$0x10B0] =	vst v0  }
0x3f: {  	[tilespmem:s14+$0x30B0] =	vst v0  }
0x40: {  	[tilespmem:s14+$0x1100] =	vst v0  }
0x41: {  	[tilespmem:s14+$0x3100] =	vst v0  }
0x42: {  	[tilespmem:s14+$0x1110] =	vst v0  }
0x43: {  	[tilespmem:s14+$0x3110] =	vst v0  }
0x44: {  	[tilespmem:s14+$0x1120] =	vst v0  }
0x45: {  	[tilespmem:s14+$0x3120] =	vst v0  }
0x46: {  	[tilespmem:s14+$0x1130] =	vst v0  }
0x47: {  	[tilespmem:s14+$0x3130] =	vst v0  }
0x48: {  	[tilespmem:s14+$0x1180] =	vst v0  }
0x49: {  	[tilespmem:s14+$0x3180] =	vst v0  }
0x4a: {  	[tilespmem:s14+$0x1190] =	vst v0  }
0x4b: {  	[tilespmem:s14+$0x3190] =	vst v0  }
0x4c: {  	[tilespmem:s14+$0x11A0] =	vst v0  }
0x4d: {  	[tilespmem:s14+$0x31A0] =	vst v0  }
0x4e: {  	[tilespmem:s14+$0x11B0] =	vst v0;
	s14 =	simm.s32 $0x0  }
0x4f: {  	[tilespmem:s14], [sflag:$0x1] =	stream.strided.gather [hbm4b:s3+s7], $0x800, s8, s7, $0x38;
	[tilespmem:$0x5000] =	vst v63  }
0x50: {  	_ =	swait.ge [sflag:s9], $0x800  }
0x51: {  	[sflag:s9] =	ssyncset.done $0x0  }
0x52: {  	[sflag:s9] =	ssyncadd.s32 $0xFFFFF800  }
0x53: {  	[tilespmem:s10], [sflag:$0x1] =	stream.strided.gather [hbm4b:s4+s7], $0x800, s8, s7, $0x38;
	[tilespmem:$0x5000] =	vst v63  }
0x54: {  	_ =	swait.ge [sflag:s9], $0x800  }
0x55: {  	[sflag:s9] =	ssyncset.done $0x0  }
0x56: {  	[sflag:s9] =	ssyncadd.s32 $0xFFFFF800  }
.LBB2_4:
0x57: {  	s15 =	sshra.s32 s14, $0x2  }
0x58: {  	v2 =	vld [tilespmem:s15+$0x0];
	_ =	sdelay $0x4  }
0x59: {  	v3 =	vand.u32 $0x7FFFFFFF, v2  }
0x5a: {  	v3 =	vsub.f32 $0.0e+00, v3;
	_ =	sdelay $0x1  }
0x5b: {  	v3 =	vmul.f32 $1.442695020e+00, v3;
	_ =	sdelay $0x1  }
0x5c: {  	(erf) = vpow2.f32 v3;
	_ =	sdelay $0x8  }
0x5d: {  	v3 =	vpop (erf)  }
0x5e: {  	v4 =	vmul.f32 $1.720779950e-02, v3;
	_ =	sdelay $0x1  }
0x5f: {  	v4 =	vsub.f32 $8.172564210e-02, v4;
	_ =	sdelay $0x1  }
0x60: {  	v4 =	vmul.f32 v4, v3;
	_ =	sdelay $0x1  }
0x61: {  	v4 =	vadd.f32 $-1.887808290e-01, v4;
	_ =	sdelay $0x1  }
0x62: {  	v4 =	vmul.f32 v4, v3;
	_ =	sdelay $0x1  }
0x63: {  	v4 =	vadd.f32 $3.145891730e-01, v4;
	_ =	sdelay $0x1  }
0x64: {  	v4 =	vmul.f32 v4, v3;
	_ =	sdelay $0x1  }
0x65: {  	v4 =	vadd.f32 $-4.969774190e-01, v4  }
0x66: {  	v5 =	vld [tilespmem:s15+$0x800]  }
0x67: {  	v4 =	vmul.f32 v4, v3;
	_ =	sdelay $0x1  }
0x68: {  	v4 =	vadd.f32 $9.997923370e-01, v4;
	_ =	sdelay $0x1  }
0x69: {  	v42 =	vmul.f32 v5, v2;
	v3 =	vmul.f32 v4, v3  }
0x6a: {  	v2 =	vmax.f32 v2, $0.0e+00  }
0x6b: {  	v2 =	vsub.f32 v2, v42;
	v3 =	vadd.f32 $3.511021300e-06, v3;
	_ =	sdelay $0x1  }
0x6c: {  	v2 =	vadd.f32 v3, v2;
	_ =	sdelay $0x1  }
0x6d: {  	v2 =	vmax.f32 v2, $0.0e+00  }
0x6e: {  	v3 =	vshrl.u32 v2, $0x13;
	v2 =	vshrl.u32 v2, $0x12  }
0x6f: {  	v3 =	vand.u32 $0x3F, v3;
	v2 =	vand.u32 $0x3F80, v2  }
0x70: {  	v2 =	vor.u32 v3, v2;
	_ =	sdelay $0x4  }
0x71: {  	[tilespmem:v2+s11+$0x0] =	vst.idx.add.f32.msk $0xffff, v1  }
0x72: {  	v2 =	vld [tilespmem:s15+$0x10];
	_ =	sdelay $0x4  }
0x73: {  	v3 =	vand.u32 $0x7FFFFFFF, v2  }
0x74: {  	v3 =	vsub.f32 $0.0e+00, v3;
	_ =	sdelay $0x1  }
0x75: {  	v3 =	vmul.f32 $1.442695020e+00, v3;
	_ =	sdelay $0x1  }
0x76: {  	(erf) = vpow2.f32 v3;
	_ =	sdelay $0x8  }
0x77: {  	v3 =	vpop (erf)  }
0x78: {  	v43 =	vmul.f32 $1.720779950e-02, v3;
	_ =	sdelay $0x1  }
0x79: {  	v4 =	vsub.f32 $8.172564210e-02, v43;
	_ =	sdelay $0x1  }
0x7a: {  	v4 =	vmul.f32 v4, v3;
	_ =	sdelay $0x1  }
0x7b: {  	v4 =	vadd.f32 $-1.887808290e-01, v4;
	_ =	sdelay $0x1  }
0x7c: {  	v4 =	vmul.f32 v4, v3;
	_ =	sdelay $0x1  }
0x7d: {  	v4 =	vadd.f32 $3.145891730e-01, v4;
	_ =	sdelay $0x1  }
0x7e: {  	v4 =	vmul.f32 v4, v3;
	_ =	sdelay $0x1  }
0x7f: {  	v4 =	vadd.f32 $-4.969774190e-01, v4  }
0x80: {  	v44 =	vld [tilespmem:s15+$0x810]  }
0x81: {  	v4 =	vmul.f32 v4, v3;
	_ =	sdelay $0x1  }
0x82: {  	v4 =	vadd.f32 $9.997923370e-01, v4;
	_ =	sdelay $0x1  }
0x83: {  	v45 =	vmul.f32 v44, v2;
	v3 =	vmul.f32 v4, v3  }
0x84: {  	v2 =	vmax.f32 v2, $0.0e+00  }
0x85: {  	v2 =	vsub.f32 v2, v45;
	v3 =	vadd.f32 $3.511021300e-06, v3;
	_ =	sdelay $0x1  }
0x86: {  	v2 =	vadd.f32 v3, v2;
	_ =	sdelay $0x1  }
0x87: {  	v2 =	vmax.f32 v2, $0.0e+00  }
0x88: {  	v3 =	vshrl.u32 v2, $0x13;
	v2 =	vshrl.u32 v2, $0x12  }
0x89: {  	v3 =	vand.u32 $0x3F, v3;
	v2 =	vand.u32 $0x3F80, v2  }
0x8a: {  	v2 =	vor.u32 v3, v2;
	_ =	sdelay $0x4  }
0x8b: {  	[tilespmem:v2+s12+$0x0] =	vst.idx.add.f32.msk $0xffff, v1  }
0x8c: {  	v2 =	vld [tilespmem:s15+$0x20];
	_ =	sdelay $0x4  }
0x8d: {  	v3 =	vand.u32 $0x7FFFFFFF, v2  }
0x8e: {  	v3 =	vsub.f32 $0.0e+00, v3;
	_ =	sdelay $0x1  }
0x8f: {  	v3 =	vmul.f32 $1.442695020e+00, v3;
	_ =	sdelay $0x1  }
0x90: {  	(erf) = vpow2.f32 v3;
	_ =	sdelay $0x8  }
0x91: {  	v3 =	vpop (erf)  }
0x92: {  	v46 =	vmul.f32 $1.720779950e-02, v3;
	_ =	sdelay $0x1  }
0x93: {  	v4 =	vsub.f32 $8.172564210e-02, v46;
	_ =	sdelay $0x1  }
0x94: {  	v4 =	vmul.f32 v4, v3;
	_ =	sdelay $0x1  }
0x95: {  	v4 =	vadd.f32 $-1.887808290e-01, v4;
	_ =	sdelay $0x1  }
0x96: {  	v4 =	vmul.f32 v4, v3;
	_ =	sdelay $0x1  }
0x97: {  	v4 =	vadd.f32 $3.145891730e-01, v4;
	_ =	sdelay $0x1  }
0x98: {  	v4 =	vmul.f32 v4, v3;
	_ =	sdelay $0x1  }
0x99: {  	v4 =	vadd.f32 $-4.969774190e-01, v4  }
0x9a: {  	v47 =	vld [tilespmem:s15+$0x820]  }
0x9b: {  	v4 =	vmul.f32 v4, v3;
	_ =	sdelay $0x1  }
0x9c: {  	v4 =	vadd.f32 $9.997923370e-01, v4;
	_ =	sdelay $0x1  }
0x9d: {  	v48 =	vmul.f32 v47, v2;
	v3 =	vmul.f32 v4, v3  }
0x9e: {  	v2 =	vmax.f32 v2, $0.0e+00  }
0x9f: {  	v2 =	vsub.f32 v2, v48;
	v3 =	vadd.f32 $3.511021300e-06, v3;
	_ =	sdelay $0x1  }
0xa0: {  	v2 =	vadd.f32 v3, v2;
	_ =	sdelay $0x1  }
0xa1: {  	v2 =	vmax.f32 v2, $0.0e+00  }
0xa2: {  	v3 =	vshrl.u32 v2, $0x13;
	v2 =	vshrl.u32 v2, $0x12  }
0xa3: {  	v3 =	vand.u32 $0x3F, v3;
	v2 =	vand.u32 $0x3F80, v2  }
0xa4: {  	v2 =	vor.u32 v3, v2;
	_ =	sdelay $0x4  }
0xa5: {  	[tilespmem:v2+s11+$0x0] =	vst.idx.add.f32.msk $0xffff, v1  }
0xa6: {  	v2 =	vld [tilespmem:s15+$0x30];
	_ =	sdelay $0x4  }
0xa7: {  	v3 =	vand.u32 $0x7FFFFFFF, v2  }
0xa8: {  	v3 =	vsub.f32 $0.0e+00, v3;
	_ =	sdelay $0x1  }
0xa9: {  	v3 =	vmul.f32 $1.442695020e+00, v3;
	_ =	sdelay $0x1  }
0xaa: {  	(erf) = vpow2.f32 v3;
	_ =	sdelay $0x8  }
0xab: {  	v3 =	vpop (erf)  }
0xac: {  	v49 =	vmul.f32 $1.720779950e-02, v3;
	_ =	sdelay $0x1  }
0xad: {  	v4 =	vsub.f32 $8.172564210e-02, v49;
	_ =	sdelay $0x1  }
0xae: {  	v4 =	vmul.f32 v4, v3;
	_ =	sdelay $0x1  }
0xaf: {  	v4 =	vadd.f32 $-1.887808290e-01, v4;
	_ =	sdelay $0x1  }
0xb0: {  	v4 =	vmul.f32 v4, v3;
	_ =	sdelay $0x1  }
0xb1: {  	v4 =	vadd.f32 $3.145891730e-01, v4;
	_ =	sdelay $0x1  }
0xb2: {  	v4 =	vmul.f32 v4, v3;
	_ =	sdelay $0x1  }
0xb3: {  	v4 =	vadd.f32 $-4.969774190e-01, v4  }
0xb4: {  	v50 =	vld [tilespmem:s15+$0x830]  }
0xb5: {  	v4 =	vmul.f32 v4, v3;
	_ =	sdelay $0x1  }
0xb6: {  	v4 =	vadd.f32 $9.997923370e-01, v4;
	_ =	sdelay $0x1  }
0xb7: {  	v51 =	vmul.f32 v50, v2;
	v3 =	vmul.f32 v4, v3  }
0xb8: {  	v2 =	vmax.f32 v2, $0.0e+00  }
0xb9: {  	v2 =	vsub.f32 v2, v51;
	v3 =	vadd.f32 $3.511021300e-06, v3;
	_ =	sdelay $0x1  }
0xba: {  	v2 =	vadd.f32 v3, v2;
	_ =	sdelay $0x1  }
0xbb: {  	v2 =	vmax.f32 v2, $0.0e+00  }
0xbc: {  	v3 =	vshrl.u32 v2, $0x13;
	v2 =	vshrl.u32 v2, $0x12  }
0xbd: {  	v3 =	vand.u32 $0x3F, v3;
	v2 =	vand.u32 $0x3F80, v2  }
0xbe: {  	v2 =	vor.u32 v3, v2;
	_ =	sdelay $0x4  }
0xbf: {  	[tilespmem:v2+s12+$0x0] =	vst.idx.add.f32.msk $0xffff, v1  }
0xc0: {  	v2 =	vld [tilespmem:s15+$0x40];
	_ =	sdelay $0x4  }
0xc1: {  	v3 =	vand.u32 $0x7FFFFFFF, v2  }
0xc2: {  	v3 =	vsub.f32 $0.0e+00, v3;
	_ =	sdelay $0x1  }
0xc3: {  	v3 =	vmul.f32 $1.442695020e+00, v3;
	_ =	sdelay $0x1  }
0xc4: {  	(erf) = vpow2.f32 v3;
	_ =	sdelay $0x8  }
0xc5: {  	v3 =	vpop (erf)  }
0xc6: {  	v52 =	vmul.f32 $1.720779950e-02, v3;
	_ =	sdelay $0x1  }
0xc7: {  	v4 =	vsub.f32 $8.172564210e-02, v52;
	_ =	sdelay $0x1  }
0xc8: {  	v4 =	vmul.f32 v4, v3;
	_ =	sdelay $0x1  }
0xc9: {  	v4 =	vadd.f32 $-1.887808290e-01, v4;
	_ =	sdelay $0x1  }
0xca: {  	v4 =	vmul.f32 v4, v3;
	_ =	sdelay $0x1  }
0xcb: {  	v4 =	vadd.f32 $3.145891730e-01, v4;
	_ =	sdelay $0x1  }
0xcc: {  	v4 =	vmul.f32 v4, v3;
	_ =	sdelay $0x1  }
0xcd: {  	v4 =	vadd.f32 $-4.969774190e-01, v4  }
0xce: {  	v53 =	vld [tilespmem:s15+$0x840]  }
0xcf: {  	v4 =	vmul.f32 v4, v3;
	_ =	sdelay $0x1  }
0xd0: {  	v4 =	vadd.f32 $9.997923370e-01, v4;
	_ =	sdelay $0x1  }
0xd1: {  	v54 =	vmul.f32 v53, v2;
	v3 =	vmul.f32 v4, v3  }
0xd2: {  	v2 =	vmax.f32 v2, $0.0e+00  }
0xd3: {  	v2 =	vsub.f32 v2, v54;
	v3 =	vadd.f32 $3.511021300e-06, v3;
	_ =	sdelay $0x1  }
0xd4: {  	v2 =	vadd.f32 v3, v2;
	_ =	sdelay $0x1  }
0xd5: {  	v2 =	vmax.f32 v2, $0.0e+00  }
0xd6: {  	v3 =	vshrl.u32 v2, $0x13;
	v2 =	vshrl.u32 v2, $0x12  }
0xd7: {  	v3 =	vand.u32 $0x3F, v3;
	v2 =	vand.u32 $0x3F80, v2  }
0xd8: {  	v2 =	vor.u32 v3, v2;
	_ =	sdelay $0x4  }
0xd9: {  	[tilespmem:v2+s11+$0x0] =	vst.idx.add.f32.msk $0xffff, v1  }
0xda: {  	v2 =	vld [tilespmem:s15+$0x50];
	_ =	sdelay $0x4  }
0xdb: {  	v3 =	vand.u32 $0x7FFFFFFF, v2  }
0xdc: {  	v3 =	vsub.f32 $0.0e+00, v3;
	_ =	sdelay $0x1  }
0xdd: {  	v3 =	vmul.f32 $1.442695020e+00, v3;
	_ =	sdelay $0x1  }
0xde: {  	(erf) = vpow2.f32 v3;
	_ =	sdelay $0x8  }
0xdf: {  	v3 =	vpop (erf)  }
0xe0: {  	v55 =	vmul.f32 $1.720779950e-02, v3;
	_ =	sdelay $0x1  }
0xe1: {  	v4 =	vsub.f32 $8.172564210e-02, v55;
	_ =	sdelay $0x1  }
0xe2: {  	v4 =	vmul.f32 v4, v3;
	_ =	sdelay $0x1  }
0xe3: {  	v4 =	vadd.f32 $-1.887808290e-01, v4;
	_ =	sdelay $0x1  }
0xe4: {  	v4 =	vmul.f32 v4, v3;
	_ =	sdelay $0x1  }
0xe5: {  	v4 =	vadd.f32 $3.145891730e-01, v4;
	_ =	sdelay $0x1  }
0xe6: {  	v4 =	vmul.f32 v4, v3;
	_ =	sdelay $0x1  }
0xe7: {  	v4 =	vadd.f32 $-4.969774190e-01, v4  }
0xe8: {  	v56 =	vld [tilespmem:s15+$0x850]  }
0xe9: {  	v4 =	vmul.f32 v4, v3;
	_ =	sdelay $0x1  }
0xea: {  	v4 =	vadd.f32 $9.997923370e-01, v4;
	_ =	sdelay $0x1  }
0xeb: {  	v57 =	vmul.f32 v56, v2;
	v3 =	vmul.f32 v4, v3  }
0xec: {  	v2 =	vmax.f32 v2, $0.0e+00  }
0xed: {  	v2 =	vsub.f32 v2, v57;
	v3 =	vadd.f32 $3.511021300e-06, v3;
	_ =	sdelay $0x1  }
0xee: {  	v2 =	vadd.f32 v3, v2;
	_ =	sdelay $0x1  }
0xef: {  	v2 =	vmax.f32 v2, $0.0e+00  }
0xf0: {  	v3 =	vshrl.u32 v2, $0x13;
	v2 =	vshrl.u32 v2, $0x12  }
0xf1: {  	v3 =	vand.u32 $0x3F, v3;
	v2 =	vand.u32 $0x3F80, v2  }
0xf2: {  	v2 =	vor.u32 v3, v2;
	_ =	sdelay $0x4  }
0xf3: {  	[tilespmem:v2+s12+$0x0] =	vst.idx.add.f32.msk $0xffff, v1  }
0xf4: {  	v2 =	vld [tilespmem:s15+$0x60];
	_ =	sdelay $0x4  }
0xf5: {  	v3 =	vand.u32 $0x7FFFFFFF, v2  }
0xf6: {  	v3 =	vsub.f32 $0.0e+00, v3;
	_ =	sdelay $0x1  }
0xf7: {  	v3 =	vmul.f32 $1.442695020e+00, v3;
	_ =	sdelay $0x1  }
0xf8: {  	(erf) = vpow2.f32 v3;
	_ =	sdelay $0x8  }
0xf9: {  	v3 =	vpop (erf)  }
0xfa: {  	v58 =	vmul.f32 $1.720779950e-02, v3;
	_ =	sdelay $0x1  }
0xfb: {  	v4 =	vsub.f32 $8.172564210e-02, v58;
	_ =	sdelay $0x1  }
0xfc: {  	v4 =	vmul.f32 v4, v3;
	_ =	sdelay $0x1  }
0xfd: {  	v4 =	vadd.f32 $-1.887808290e-01, v4;
	_ =	sdelay $0x1  }
0xfe: {  	v4 =	vmul.f32 v4, v3;
	_ =	sdelay $0x1  }
0xff: {  	v4 =	vadd.f32 $3.145891730e-01, v4;
	_ =	sdelay $0x1  }
0x100: {  	v4 =	vmul.f32 v4, v3;
	_ =	sdelay $0x1  }
0x101: {  	v4 =	vadd.f32 $-4.969774190e-01, v4  }
0x102: {  	v59 =	vld [tilespmem:s15+$0x860]  }
0x103: {  	v4 =	vmul.f32 v4, v3;
	_ =	sdelay $0x1  }
0x104: {  	v4 =	vadd.f32 $9.997923370e-01, v4;
	_ =	sdelay $0x1  }
0x105: {  	v60 =	vmul.f32 v59, v2;
	v3 =	vmul.f32 v4, v3  }
0x106: {  	v2 =	vmax.f32 v2, $0.0e+00  }
0x107: {  	v2 =	vsub.f32 v2, v60;
	v3 =	vadd.f32 $3.511021300e-06, v3;
	_ =	sdelay $0x1  }
0x108: {  	v2 =	vadd.f32 v3, v2;
	_ =	sdelay $0x1  }
0x109: {  	v2 =	vmax.f32 v2, $0.0e+00  }
0x10a: {  	v3 =	vshrl.u32 v2, $0x13;
	v2 =	vshrl.u32 v2, $0x12  }
0x10b: {  	v3 =	vand.u32 $0x3F, v3;
	v2 =	vand.u32 $0x3F80, v2  }
0x10c: {  	v2 =	vor.u32 v3, v2;
	_ =	sdelay $0x4  }
0x10d: {  	[tilespmem:v2+s11+$0x0] =	vst.idx.add.f32.msk $0xffff, v1  }
0x10e: {  	v2 =	vld [tilespmem:s15+$0x70];
	_ =	sdelay $0x4  }
0x10f: {  	v3 =	vand.u32 $0x7FFFFFFF, v2  }
0x110: {  	v3 =	vsub.f32 $0.0e+00, v3;
	_ =	sdelay $0x1  }
0x111: {  	v3 =	vmul.f32 $1.442695020e+00, v3;
	_ =	sdelay $0x1  }
0x112: {  	(erf) = vpow2.f32 v3;
	_ =	sdelay $0x8  }
0x113: {  	v3 =	vpop (erf)  }
0x114: {  	v61 =	vmul.f32 $1.720779950e-02, v3;
	_ =	sdelay $0x1  }
0x115: {  	v4 =	vsub.f32 $8.172564210e-02, v61;
	_ =	sdelay $0x1  }
0x116: {  	v4 =	vmul.f32 v4, v3;
	_ =	sdelay $0x1  }
0x117: {  	v4 =	vadd.f32 $-1.887808290e-01, v4;
	_ =	sdelay $0x1  }
0x118: {  	v4 =	vmul.f32 v4, v3;
	_ =	sdelay $0x1  }
0x119: {  	v4 =	vadd.f32 $3.145891730e-01, v4;
	_ =	sdelay $0x1  }
0x11a: {  	v4 =	vmul.f32 v4, v3;
	_ =	sdelay $0x1  }
0x11b: {  	v4 =	vadd.f32 $-4.969774190e-01, v4  }
0x11c: {  	v62 =	vld [tilespmem:s15+$0x870]  }
0x11d: {  	v4 =	vmul.f32 v4, v3;
	_ =	sdelay $0x1  }
0x11e: {  	v4 =	vadd.f32 $9.997923370e-01, v4;
	_ =	sdelay $0x1  }
0x11f: {  	v63 =	vmul.f32 v62, v2;
	v3 =	vmul.f32 v4, v3  }
0x120: {  	v2 =	vmax.f32 v2, $0.0e+00  }
0x121: {  	v2 =	vsub.f32 v2, v63;
	v3 =	vadd.f32 $3.511021300e-06, v3;
	_ =	sdelay $0x1  }
0x122: {  	v2 =	vadd.f32 v3, v2;
	_ =	sdelay $0x1  }
0x123: {  	v2 =	vmax.f32 v2, $0.0e+00  }
0x124: {  	v3 =	vshrl.u32 v2, $0x13;
	v2 =	vshrl.u32 v2, $0x12  }
0x125: {  	v3 =	vand.u32 $0x3F, v3;
	v2 =	vand.u32 $0x3F80, v2  }
0x126: {  	p0 =	sne.s32 s14, $0x1E00;
	v2 =	vor.u32 v3, v2  }
.Ltmp1:
0x127: {  	_ = 	snop;
	(pc) =	sbr.rel @p0 .LBB2_4-.Ltmp1, $2  }
0x128: {  	_ =	sdelay $0x2  }
0x129: {  	s14 =	sadd.s32 $0x200, s14;
	[tilespmem:v2+s12+$0x0] =	vst.idx.add.f32.msk $0xffff, v1  }
0x12a: {  	s14 =	simm.s32 $0x0  }
0x12b: {  	v8 =	vld [tilespmem:s14+$0x3000]  }
0x12c: {  	v9 =	vld [tilespmem:s14+$0x3010]  }
0x12d: {  	v10 =	vld [tilespmem:s14+$0x3020]  }
0x12e: {  	v11 =	vld [tilespmem:s14+$0x3030]  }
0x12f: {  	v12 =	vld [tilespmem:s14+$0x3080]  }
0x130: {  	v13 =	vld [tilespmem:s14+$0x3090]  }
0x131: {  	v14 =	vld [tilespmem:s14+$0x30A0]  }
0x132: {  	v15 =	vld [tilespmem:s14+$0x30B0]  }
0x133: {  	v16 =	vld [tilespmem:s14+$0x3100]  }
0x134: {  	v17 =	vld [tilespmem:s14+$0x3110]  }
0x135: {  	v7 =	vld [tilespmem:s14+$0x3120]  }
0x136: {  	v6 =	vld [tilespmem:s14+$0x3130]  }
0x137: {  	v5 =	vld [tilespmem:s14+$0x3180]  }
0x138: {  	v4 =	vld [tilespmem:s14+$0x3190]  }
0x139: {  	v3 =	vld [tilespmem:s14+$0x31A0]  }
0x13a: {  	v2 =	vld [tilespmem:s14+$0x31B0]  }
0x13b: {  	v18 =	vld [tilespmem:s14+$0x1000]  }
0x13c: {  	v19 =	vld [tilespmem:s14+$0x1010]  }
0x13d: {  	v20 =	vld [tilespmem:s14+$0x1020]  }
0x13e: {  	v21 =	vld [tilespmem:s14+$0x1030]  }
0x13f: {  	v22 =	vld [tilespmem:s14+$0x1080]  }
0x140: {  	v60 =	vld [tilespmem:s14+$0x1090];
	v8 =	vadd.f32 v8, v18  }
0x141: {  	v23 =	vld [tilespmem:s14+$0x10A0];
	v9 =	vadd.f32 v9, v19  }
0x142: {  	v61 =	vld [tilespmem:s14+$0x10B0];
	[tilespmem:s14+$0x1000] =	vst v8;
	v8 =	vadd.f32 v10, v20  }
0x143: {  	v62 =	vld [tilespmem:s14+$0x1100];
	[tilespmem:s14+$0x1010] =	vst v9;
	v9 =	vadd.f32 v11, v21  }
0x144: {  	v63 =	vld [tilespmem:s14+$0x1110];
	[tilespmem:s14+$0x1020] =	vst v8;
	v8 =	vadd.f32 v12, v22  }
0x145: {  	v10 =	vadd.f32 v13, v60;
	[tilespmem:s14+$0x1030] =	vst v9;
	v9 =	vld [tilespmem:s14+$0x1120]  }
0x146: {  	v11 =	vadd.f32 v14, v23;
	[tilespmem:s14+$0x1080] =	vst v8;
	v8 =	vld [tilespmem:s14+$0x1130]  }
0x147: {  	[tilespmem:s14+$0x1090] =	vst v10;
	v10 =	vld [tilespmem:s14+$0x1180];
	v12 =	vadd.f32 v15, v61  }
0x148: {  	v14 =	vadd.f32 v16, v62;
	[tilespmem:s14+$0x10A0] =	vst v11;
	v11 =	vld [tilespmem:s14+$0x1190]  }
0x149: {  	s15 =	simm.s32 $0x800;
	v13 =	vadd.f32 v17, v63;
	[tilespmem:s14+$0x10B0] =	vst v12;
	v12 =	vld [tilespmem:s14+$0x11A0]  }
.LBB2_6:
0x14a: {  	s16 =	sshra.s32 s15, $0x2;
	p0 =	sne.s32 s15, $0x7800;
	[tilespmem:s14+$0x1100] =	vst v14;
	v7 =	vadd.f32 v7, v9;
	v9 =	vld [tilespmem:s14+$0x11B0]  }
0x14b: {  	v14 =	vld [tilespmem:s16+$0x3000];
	[tilespmem:s14+$0x1110] =	vst v13;
	v6 =	vadd.f32 v6, v8  }
0x14c: {  	v8 =	vld [tilespmem:s16+$0x3010];
	[tilespmem:s14+$0x1120] =	vst v7;
	v5 =	vadd.f32 v5, v10  }
0x14d: {  	v10 =	vld [tilespmem:s16+$0x3020];
	[tilespmem:s14+$0x1130] =	vst v6;
	v4 =	vadd.f32 v4, v11  }
0x14e: {  	v11 =	vld [tilespmem:s16+$0x3030];
	[tilespmem:s14+$0x1180] =	vst v5;
	v3 =	vadd.f32 v3, v12  }
0x14f: {  	v12 =	vld [tilespmem:s16+$0x3080];
	[tilespmem:s14+$0x1190] =	vst v4;
	v2 =	vadd.f32 v2, v9  }
0x150: {  	v9 =	vld [tilespmem:s16+$0x3090];
	[tilespmem:s14+$0x11A0] =	vst v3  }
0x151: {  	v13 =	vld [tilespmem:s16+$0x30A0];
	[tilespmem:s14+$0x11B0] =	vst v2;
	s14 =	smov.u32 s16  }
0x152: {  	v15 =	vld [tilespmem:s14+$0x30B0]  }
0x153: {  	v16 =	vld [tilespmem:s14+$0x3100]  }
0x154: {  	v17 =	vld [tilespmem:s14+$0x3110]  }
0x155: {  	v7 =	vld [tilespmem:s14+$0x3120]  }
0x156: {  	v6 =	vld [tilespmem:s14+$0x3130]  }
0x157: {  	v5 =	vld [tilespmem:s14+$0x3180]  }
0x158: {  	v4 =	vld [tilespmem:s14+$0x3190]  }
0x159: {  	v3 =	vld [tilespmem:s14+$0x31A0]  }
0x15a: {  	v2 =	vld [tilespmem:s14+$0x31B0]  }
0x15b: {  	v18 =	vld [tilespmem:s14+$0x1000]  }
0x15c: {  	v19 =	vld [tilespmem:s14+$0x1010]  }
0x15d: {  	v20 =	vld [tilespmem:s14+$0x1020]  }
0x15e: {  	v21 =	vld [tilespmem:s14+$0x1030]  }
0x15f: {  	v22 =	vld [tilespmem:s14+$0x1080]  }
0x160: {  	v14 =	vadd.f32 v14, v18;
	v18 =	vld [tilespmem:s14+$0x1090]  }
0x161: {  	v8 =	vadd.f32 v8, v19;
	v19 =	vld [tilespmem:s14+$0x10A0]  }
0x162: {  	[tilespmem:s14+$0x1000] =	vst v14;
	v10 =	vadd.f32 v10, v20;
	v14 =	vld [tilespmem:s14+$0x10B0]  }
0x163: {  	[tilespmem:s14+$0x1010] =	vst v8;
	v8 =	vadd.f32 v11, v21;
	v11 =	vld [tilespmem:s14+$0x1100]  }
0x164: {  	[tilespmem:s14+$0x1020] =	vst v10;
	v10 =	vadd.f32 v12, v22;
	v12 =	vld [tilespmem:s14+$0x1110]  }
.Ltmp2:
0x165: {  	[tilespmem:s14+$0x1030] =	vst v8;
	v18 =	vadd.f32 v9, v18;
	v9 =	vld [tilespmem:s14+$0x1120];
	(pc) =	sbr.rel @p0 .LBB2_6-.Ltmp2, $4  }
0x166: {  	[tilespmem:s14+$0x1080] =	vst v10;
	v13 =	vadd.f32 v13, v19;
	v8 =	vld [tilespmem:s14+$0x1130]  }
0x167: {  	[tilespmem:s14+$0x1090] =	vst v18;
	v15 =	vadd.f32 v15, v14;
	v10 =	vld [tilespmem:s14+$0x1180]  }
0x168: {  	[tilespmem:s14+$0x10A0] =	vst v13;
	v14 =	vadd.f32 v16, v11;
	v11 =	vld [tilespmem:s14+$0x1190]  }
0x169: {  	s15 =	sadd.s32 $0x800, s15;
	[tilespmem:s14+$0x10B0] =	vst v15;
	v13 =	vadd.f32 v17, v12;
	v12 =	vld [tilespmem:s14+$0x11A0]  }
0x16a: {  	[tilespmem:s14+$0x1100] =	vst v14;
	v7 =	vadd.f32 v7, v9;
	v63 =	vld [tilespmem:s14+$0x11B0]  }
0x16b: {  	[tilespmem:s14+$0x1110] =	vst v13;
	v6 =	vadd.f32 v6, v8  }
0x16c: {  	[tilespmem:s14+$0x1120] =	vst v7;
	v5 =	vadd.f32 v5, v10  }
0x16d: {  	[tilespmem:s14+$0x1130] =	vst v6;
	v4 =	vadd.f32 v4, v11  }
0x16e: {  	[tilespmem:s14+$0x1180] =	vst v5;
	v3 =	vadd.f32 v3, v12  }
0x16f: {  	s13 =	sadd.s32 $0x1, s13;
	[tilespmem:s14+$0x1190] =	vst v4;
	v2 =	vadd.f32 v2, v63  }
0x170: {  	p0 =	sne.s32 s13, s6;
	[tilespmem:s14+$0x11A0] =	vst v3  }
.Ltmp3:
0x171: {  	[tilespmem:s14+$0x11B0] =	vst v2;
	(pc) =	sbr.rel @p0 .LBB2_1-.Ltmp3, $4  }
0x172: {  	[hbm4b:s5+s2] =	stream.linear.scatter [tilespmem:s11], [sflag:$0x1], $0x2000, $0x38;
	[tilespmem:$0x5000] =	vst v63  }
0x173: {  	_ =	swait.ge [sflag:s9], $0x2000  }
0x174: {  	[sflag:s9] =	ssyncset.done $0x0  }
0x175: {  	[sflag:s9] =	ssyncadd.s32 $0xFFFFE000  }
0x176: {  	_ =	sfence.sel $0x180000  }
0x177: {  	[bflag:$0x0] =	sbarrier.arrive $0xFFFF  }
0x178: {  	p0 =	sne.s32 s1, $0x0;
	_ =	strace $0x90000047  }
0x179: {  	s0 =	sadd.s32 @!p0 $0x100000, s0;
	[bflag:$0x2] =	sbarrier.arrive $0xFFFF  }
0x17a: {  	[sflag:s0] =	ssyncadd.tile.s32 @!p0 $0x1;
	_ =	shalt  }
.Lfunc_end2:
_tile_overlayer_lowered:
.L_overlay_start_2:
0x17b: {  	(tag) =	ssettag $0x2  }
0x17c: {  	s0 =	rddreg [dreg:$0x0];
	s2 =	stileid.u32  }
0x17d: {  	s1 =	rddreg [dreg:$0x1];
	p0 =	sne.s32 s2, $0x0  }
0x17e: {  	s3 =	rddreg [dreg:$0x2];
	[bflag:$0x3] =	sbarrier.arrive $0xFFFF;
	s2 =	simm.s32 @!p0 $0x1C01  }
0x17f: {  	[timem:s3], [sflag:s2] =	dma.local @!p0 [hbm:s0], s1  }
0x180: {  	s0 =	simm.s32 @!p0 $0x1  }
0x181: {  	_ =	swait.ge @!p0 [sflag:s0], s1  }
0x182: {  	s1 =	ssub.s32 @!p0 $0x0, s1;
	[sflag:s0] =	ssyncset.done @!p0 $0x0  }
0x183: {  	[sflag:s0] =	ssyncadd.s32 @!p0 s1  }
0x184: {  	[bflag:$0x3] =	sbarrier.arrive $0xFFFF  }
0x185: {  	_ =	shalt  }

</sc_bundles>
